<compile_context>
chip_gen: v7x
topology: tpu7x:2x2x1
jax: 0.10.2.dev20260603
libtpu: 0.0.44.dev20260713+nightly
codegen_flags: <defaults>
</compile_context>

<pallas_src>
import functools

import jax
import jax.numpy as jnp
from jax import lax
from jax.experimental import pallas as pl
from jax.experimental.pallas import tpu as pltpu
from jax.experimental.pallas import tpu_sc as plsc

N = 10000
E = 320000
DIN = 128
H = 8
D = 16
HD = H * D
KVC = 2 * HD
ACC = HD + 16
NSUB = 16
NW = 2 * NSUB
ET = E // NW
CH = 40
NCH = ET // CH
NSEG = 5
SCH = NCH // NSEG
RPS = N // NSUB


def _proj_body(nf_ref, wq_ref, bq_ref, wk_ref, bk_ref, wv_ref, bv_ref,
               q_ref, kv_ref):
    nf = nf_ref[...]
    q_ref[...] = jnp.dot(nf, wq_ref[...],
                         preferred_element_type=jnp.float32) + bq_ref[...]
    k = (jnp.dot(nf, wk_ref[...],
                 preferred_element_type=jnp.float32) + bk_ref[...]) * 0.25
    v = jnp.dot(nf, wv_ref[...], preferred_element_type=jnp.float32) + bv_ref[...]
    kv_ref[:, :HD] = k
    kv_ref[:, HD:] = v


def _epi_body(p_ref, e_ref, o_ref):
    p = p_ref[0] + p_ref[1]
    zrep = jnp.dot(p, e_ref[...], preferred_element_type=jnp.float32)
    o_ref[...] = p[:, :HD] / zrep


def _interleave_pairs(x):
    s = x.shape[:-1]
    return x.reshape(*s, H // 2, 2, D).swapaxes(-1, -2).reshape(*s, HD)


_mesh = plsc.VectorSubcoreMesh(core_axis_name="c", subcore_axis_name="s")


@functools.partial(
    pl.kernel,
    mesh=_mesh,
    compiler_params=pltpu.CompilerParams(needs_layout_passes=False,
                                         use_tc_tiling_on_sc=False),
    out_type=jax.ShapeDtypeStruct((2, N, ACC), jnp.float32),
    scratch_types=[
        pltpu.VMEM((SCH, CH), jnp.int32),
        pltpu.VMEM((SCH, CH), jnp.int32),
        pltpu.VMEM((3 * CH, KVC), jnp.bfloat16),
        pltpu.VMEM((3 * CH, HD), jnp.bfloat16),
        pltpu.VMEM((2 * CH, ACC), jnp.float32),
        pltpu.SemaphoreType.DMA,
        pltpu.SemaphoreType.DMA,
        pltpu.SemaphoreType.DMA,
        pltpu.VMEM_SHARED((N, ACC), jnp.float32),
    ],
)
def _sc_edge_kernel(kv_hbm, q_hbm, src_hbm, dst_hbm, out_hbm,
                    src_v, dst_v, kvg, qg, outc,
                    skv, sq, ssc, acc_sh):
    cid = lax.axis_index("c")
    sid = lax.axis_index("s")
    wid = cid * NSUB + sid

    zero16 = jnp.zeros((16,), jnp.float32)

    def _zb(i, carry):
        for k in range(ACC // 16):
            outc[i, pl.ds(16 * k, 16)] = zero16
        return carry

    lax.fori_loop(0, CH, _zb, 0)
    base = sid * RPS

    def _zc(i, carry):
        pltpu.sync_copy(outc.at[pl.ds(0, CH)],
                        acc_sh.at[pl.ds(base + CH * i, CH)])
        return carry

    lax.fori_loop(0, RPS // CH, _zc, 0)
    pltpu.sync_copy(outc.at[pl.ds(0, RPS - CH * (RPS // CH))],
                    acc_sh.at[pl.ds(base + CH * (RPS // CH),
                                    RPS - CH * (RPS // CH))])
    plsc.subcore_barrier()

    iota = lax.iota(jnp.int32, 16)
    masks = [jnp.where(iota == h, jnp.float32(1), jnp.float32(0))
             for h in range(H)]
    mask0 = masks[0]

    def _segment(seg, carry):
        pltpu.sync_copy(src_hbm.at[wid, pl.ds(seg * SCH, SCH)], src_v)
        pltpu.sync_copy(dst_hbm.at[wid, pl.ds(seg * SCH, SCH)], dst_v)
        for p in range(2):
            pltpu.async_copy(kv_hbm.at[src_v.at[p]],
                             kvg.at[pl.ds(p * CH, CH)], skv)
            pltpu.async_copy(q_hbm.at[dst_v.at[p]],
                             qg.at[pl.ds(p * CH, CH)], sq)

        def _chunk(j, c1_):
            bi, bo = c1_
            jp = jnp.where(j + 2 < SCH, j + 2, SCH - 1)
            sp = jnp.where(bi == 0, 2, bi - 1)
            pltpu.async_copy(kv_hbm.at[src_v.at[jp]],
                             kvg.at[pl.ds(sp * CH, CH)], skv)
            pltpu.async_copy(q_hbm.at[dst_v.at[jp]],
                             qg.at[pl.ds(sp * CH, CH)], sq)
            pltpu.make_async_copy(kv_hbm.at[src_v.at[j]],
                                  kvg.at[pl.ds(bi * CH, CH)], skv).wait()
            pltpu.make_async_copy(q_hbm.at[dst_v.at[j]],
                                  qg.at[pl.ds(bi * CH, CH)], sq).wait()

            @pl.when(j >= 2)
            def _():
                pltpu.make_async_copy(outc.at[pl.ds(bo * CH, CH)],
                                      acc_sh.at[dst_v.at[j]], ssc).wait()

            kb = bi * CH
            ob = bo * CH

            @plsc.parallel_loop(0, CH, 1, unroll=4)
            def _edge(e):
                sv = jnp.zeros((16,), jnp.float32)
                for hp in range(H // 2):
                    k32 = kvg[kb + e, pl.ds(32 * hp, 32)]
                    q32 = qg[kb + e, pl.ds(32 * hp, 32)]
                    v32 = kvg[kb + e, pl.ds(HD + 32 * hp, 32)]
                    kab = plsc.unpack(k32,
                                      format=plsc.PackFormat.INTERLEAVED)
                    qab = plsc.unpack(q32,
                                      format=plsc.PackFormat.INTERLEAVED)
                    vab = plsc.unpack(v32,
                                      format=plsc.PackFormat.INTERLEAVED)
                    for m in range(2):
                        h = 2 * hp + m
                        c1 = plsc.cumsum(kab[m] * qab[m])
                        bc = plsc.cumsum(jnp.flip(c1, axis=0) * mask0)
                        bc = jnp.minimum(jnp.maximum(bc, -5.0), 5.0)
                        ev = jnp.exp(bc)
                        outc[ob + e, pl.ds(16 * h, 16)] = vab[m] * ev
                        sv = sv + masks[h] * ev
                outc[ob + e, pl.ds(HD, 16)] = sv

            pltpu.async_copy(outc.at[pl.ds(ob, CH)],
                             acc_sh.at[dst_v.at[j]], ssc, add=True)
            return (jnp.where(bi == 2, 0, bi + 1),
                    jnp.where(bo == 1, 0, bo + 1))

        lax.fori_loop(0, SCH, _chunk, (jnp.int32(0), jnp.int32(0)))
        for _ in range(2):
            pltpu.make_async_copy(kv_hbm.at[src_v.at[0]],
                                  kvg.at[pl.ds(0, CH)], skv).wait()
            pltpu.make_async_copy(q_hbm.at[dst_v.at[0]],
                                  qg.at[pl.ds(0, CH)], sq).wait()
            pltpu.make_async_copy(outc.at[pl.ds(0, CH)],
                                  acc_sh.at[dst_v.at[0]], ssc).wait()
        return carry

    lax.fori_loop(0, NSEG, _segment, 0)

    plsc.subcore_barrier()
    pltpu.sync_copy(acc_sh.at[pl.ds(base, RPS)],
                    out_hbm.at[cid, pl.ds(base, RPS)])


def kernel(node_feats, edge_index, Wq, bq, Wk, bk, Wv, bv):
    q1, kv1 = pl.pallas_call(
        _proj_body,
        out_shape=(jax.ShapeDtypeStruct((N, HD), jnp.float32),
                   jax.ShapeDtypeStruct((N, KVC), jnp.float32)),
    )(node_feats, Wq, bq.reshape(1, HD), Wk, bk.reshape(1, HD),
      Wv, bv.reshape(1, HD))

    qb = _interleave_pairs(q1).astype(jnp.bfloat16)
    kvb = jnp.concatenate(
        [_interleave_pairs(kv1[:, :HD]).astype(jnp.bfloat16),
         _interleave_pairs(kv1[:, HD:]).astype(jnp.bfloat16)], axis=-1)

    src = edge_index[0].reshape(NW, NCH, CH)
    dst = edge_index[1].reshape(NW, NCH, CH)
    partial = _sc_edge_kernel(kvb, qb, src, dst)

    expand = jnp.zeros((ACC, HD), jnp.float32).at[HD:HD + H].set(
        jnp.repeat(jnp.eye(H, dtype=jnp.float32), D, axis=1))
    out = pl.pallas_call(
        _epi_body,
        out_shape=jax.ShapeDtypeStruct((N, HD), jnp.float32),
    )(partial, expand)
    return out.reshape(N, H, D)

# --- scband reference (transcript-rebuilt; emitter-appended) ---
"""Pipeline reference for scband-local-multi-head-attention-module-33517924778687 (READ-ONLY COPY).

The authoritative reference and input builder live on the scoring server;
editing this copy changes nothing except your own understanding.
"""

import jax, jax.numpy as jnp
import numpy as np

N, E, D_IN, H, D = 10000, 320000, 128, 8, 16


def setup_inputs(seed: int = 0) -> dict:
    key = jax.random.key(seed)
    ks = jax.random.split(key, 8)
    node_feats = jax.random.normal(ks[0], (N, D_IN), dtype=jnp.float32)
    edge_index = jax.random.randint(ks[1], (2, E), 0, N, dtype=jnp.int32)
    s = 1.0 / np.sqrt(D_IN)
    Wq = jax.random.normal(ks[2], (D_IN, H * D), dtype=jnp.float32) * s
    bq = jax.random.normal(ks[3], (H * D,), dtype=jnp.float32) * 0.01
    Wk = jax.random.normal(ks[4], (D_IN, H * D), dtype=jnp.float32) * s
    bk = jax.random.normal(ks[5], (H * D,), dtype=jnp.float32) * 0.01
    Wv = jax.random.normal(ks[6], (D_IN, H * D), dtype=jnp.float32) * s
    bv = jax.random.normal(ks[7], (H * D,), dtype=jnp.float32) * 0.01
    return {"node_feats": node_feats, "edge_index": edge_index,
            "Wq": Wq, "bq": bq, "Wk": Wk, "bk": bk, "Wv": Wv, "bv": bv}


def reference(node_feats, edge_index, Wq, bq, Wk, bk, Wv, bv):
    n = node_feats.shape[0]
    Qh = (node_feats @ Wq + bq).reshape(n, H, D)
    Kh = (node_feats @ Wk + bk).reshape(n, H, D)
    Vh = (node_feats @ Wv + bv).reshape(n, H, D)
    src = edge_index[0]
    dst = edge_index[1]
    # src_dot_dst: per-edge dot product between K of source and Q of destination
    score = jnp.sum(Kh[src] * Qh[dst], axis=-1, keepdims=True)  # [E, H, 1]
    # scaled_exp: clamp then exponentiate for numerical stability
    score = jnp.exp(jnp.clip(score / np.sqrt(float(D)), -5.0, 5.0))
    # send_and_recv with u_mul_e + sum reducer -> segment sums over destination nodes
    wV = jax.ops.segment_sum(Vh[src] * score, dst, num_segments=n)  # [N, H, D]
    z = jax.ops.segment_sum(score, dst, num_segments=n)  # [N, H, 1]
    h_feats = wV / z
    return h_feats

if __name__ == "__main__":
    import jax
    _d = setup_inputs()
    print(jax.jit(kernel)(*tuple(_d.values())))

</pallas_src>

<mosaic_0001>
#map = affine_map<(d0, d1) -> (0, 0)>
#map1 = affine_map<(d0, d1) -> (0, 0, 0)>
module attributes {stable_mosaic.version = 14 : i64} {
  func.func @_sc_edge_kernel(%arg0: i32, %arg1: i32, %arg2: memref<10000x256xbf16, #tpu.memory_space<hbm>>, %arg3: memref<10000x128xbf16, #tpu.memory_space<hbm>>, %arg4: memref<32x250x40xi32, #tpu.memory_space<hbm>>, %arg5: memref<32x250x40xi32, #tpu.memory_space<hbm>>, %arg6: memref<2x10000x144xf32, #tpu.memory_space<hbm>>, %arg7: memref<50x40xi32, #tpu.memory_space<vmem>>, %arg8: memref<50x40xi32, #tpu.memory_space<vmem>>, %arg9: memref<120x256xbf16, #tpu.memory_space<vmem>>, %arg10: memref<120x128xbf16, #tpu.memory_space<vmem>>, %arg11: memref<80x144xf32, #tpu.memory_space<vmem>>, %arg12: memref<!tpu.dma_semaphore, #tpu.memory_space<semaphore_mem>>, %arg13: memref<!tpu.dma_semaphore, #tpu.memory_space<semaphore_mem>>, %arg14: memref<!tpu.dma_semaphore, #tpu.memory_space<semaphore_mem>>, %arg15: memref<10000x144xf32, #tpu.memory_space<vmem_shared>>) attributes {dimension_semantics = [#tpu.dimension_semantics<core_parallel>, #tpu.dimension_semantics<subcore_parallel>], iteration_bounds = array<i64: 2, 16>, scalar_prefetch = 0 : i64, scratch_operands = 9 : i64, tpu.core_type = #tpu.core_type<sc_vector_subcore>, window_params = [{transform_indices = #map}, {transform_indices = #map}, {transform_indices = #map1}, {transform_indices = #map1}, {transform_indices = #map1}]} {
    %mul3A = arith.constant 16 : i32
    %mul3A_0 = arith.muli %arg0, %mul3A : i32
    %add3A = arith.addi %mul3A_0, %arg1 : i32
    %broadcast_in_dim3A = arith.constant 0.000000e+00 : f32
    %broadcast_in_dim3A_1 = vector.broadcast %broadcast_in_dim3A : f32 to vector<16xf32>
    %scan3A = arith.constant 0 : i32
    %scan3A_2 = arith.constant 0 : i32
    %scan3A_3 = arith.constant 40 : i32
    %scan3A_4 = arith.addi %scan3A_2, %scan3A_3 : i32
    %scan3A_5 = arith.constant 1 : i32
    scf.for %scan3A_85 = %scan3A_2 to %scan3A_4 step %scan3A_5  : i32 {
      %swap3A = arith.index_cast %scan3A_85 : i32 to index
      %swap3A_86 = arith.constant 0 : index
      %swap3A_87 = tpu.vector_load %arg11[%swap3A, %swap3A_86] {strides = array<i32>} : memref<80x144xf32, #tpu.memory_space<vmem>>, vector<16xf32>,
      tpu.vector_store %arg11[%swap3A, %swap3A_86], %broadcast_in_dim3A_1 {strides = array<i32>} : memref<80x144xf32, #tpu.memory_space<vmem>>, vector<16xf32>,
      %swap3A_88 = arith.index_cast %scan3A_85 : i32 to index
      %swap3A_89 = arith.constant 16 : index
      %swap3A_90 = tpu.vector_load %arg11[%swap3A_88, %swap3A_89] {strides = array<i32>} : memref<80x144xf32, #tpu.memory_space<vmem>>, vector<16xf32>,
      tpu.vector_store %arg11[%swap3A_88, %swap3A_89], %broadcast_in_dim3A_1 {strides = array<i32>} : memref<80x144xf32, #tpu.memory_space<vmem>>, vector<16xf32>,
      %swap3A_91 = arith.index_cast %scan3A_85 : i32 to index
      %swap3A_92 = arith.constant 32 : index
      %swap3A_93 = tpu.vector_load %arg11[%swap3A_91, %swap3A_92] {strides = array<i32>} : memref<80x144xf32, #tpu.memory_space<vmem>>, vector<16xf32>,
      tpu.vector_store %arg11[%swap3A_91, %swap3A_92], %broadcast_in_dim3A_1 {strides = array<i32>} : memref<80x144xf32, #tpu.memory_space<vmem>>, vector<16xf32>,
      %swap3A_94 = arith.index_cast %scan3A_85 : i32 to index
      %swap3A_95 = arith.constant 48 : index
      %swap3A_96 = tpu.vector_load %arg11[%swap3A_94, %swap3A_95] {strides = array<i32>} : memref<80x144xf32, #tpu.memory_space<vmem>>, vector<16xf32>,
      tpu.vector_store %arg11[%swap3A_94, %swap3A_95], %broadcast_in_dim3A_1 {strides = array<i32>} : memref<80x144xf32, #tpu.memory_space<vmem>>, vector<16xf32>,
      %swap3A_97 = arith.index_cast %scan3A_85 : i32 to index
      %swap3A_98 = arith.constant 64 : index
      %swap3A_99 = tpu.vector_load %arg11[%swap3A_97, %swap3A_98] {strides = array<i32>} : memref<80x144xf32, #tpu.memory_space<vmem>>, vector<16xf32>,
      tpu.vector_store %arg11[%swap3A_97, %swap3A_98], %broadcast_in_dim3A_1 {strides = array<i32>} : memref<80x144xf32, #tpu.memory_space<vmem>>, vector<16xf32>,
      %swap3A_100 = arith.index_cast %scan3A_85 : i32 to index
      %swap3A_101 = arith.constant 80 : index
      %swap3A_102 = tpu.vector_load %arg11[%swap3A_100, %swap3A_101] {strides = array<i32>} : memref<80x144xf32, #tpu.memory_space<vmem>>, vector<16xf32>,
      tpu.vector_store %arg11[%swap3A_100, %swap3A_101], %broadcast_in_dim3A_1 {strides = array<i32>} : memref<80x144xf32, #tpu.memory_space<vmem>>, vector<16xf32>,
      %swap3A_103 = arith.index_cast %scan3A_85 : i32 to index
      %swap3A_104 = arith.constant 96 : index
      %swap3A_105 = tpu.vector_load %arg11[%swap3A_103, %swap3A_104] {strides = array<i32>} : memref<80x144xf32, #tpu.memory_space<vmem>>, vector<16xf32>,
      tpu.vector_store %arg11[%swap3A_103, %swap3A_104], %broadcast_in_dim3A_1 {strides = array<i32>} : memref<80x144xf32, #tpu.memory_space<vmem>>, vector<16xf32>,
      %swap3A_106 = arith.index_cast %scan3A_85 : i32 to index
      %swap3A_107 = arith.constant 112 : index
      %swap3A_108 = tpu.vector_load %arg11[%swap3A_106, %swap3A_107] {strides = array<i32>} : memref<80x144xf32, #tpu.memory_space<vmem>>, vector<16xf32>,
      tpu.vector_store %arg11[%swap3A_106, %swap3A_107], %broadcast_in_dim3A_1 {strides = array<i32>} : memref<80x144xf32, #tpu.memory_space<vmem>>, vector<16xf32>,
      %swap3A_109 = arith.index_cast %scan3A_85 : i32 to index
      %swap3A_110 = arith.constant 128 : index
      %swap3A_111 = tpu.vector_load %arg11[%swap3A_109, %swap3A_110] {strides = array<i32>} : memref<80x144xf32, #tpu.memory_space<vmem>>, vector<16xf32>,
      tpu.vector_store %arg11[%swap3A_109, %swap3A_110], %broadcast_in_dim3A_1 {strides = array<i32>} : memref<80x144xf32, #tpu.memory_space<vmem>>, vector<16xf32>,
    }
    %scan3A_6 = arith.constant 40 : i32
    %mul3A_7 = arith.constant 625 : i32
    %mul3A_8 = arith.muli %arg1, %mul3A_7 : i32
    %scan3A_9 = arith.constant 0 : i32
    %scan3A_10 = arith.constant 0 : i32
    %scan3A_11 = arith.constant 15 : i32
    %scan3A_12 = arith.addi %scan3A_10, %scan3A_11 : i32
    %scan3A_13 = arith.constant 1 : i32
    scf.for %scan3A_85 = %scan3A_10 to %scan3A_12 step %scan3A_13  : i32 {
      %mul3A_86 = arith.constant 40 : i32
      %mul3A_87 = arith.muli %mul3A_86, %scan3A_85 : i32
      %add3A_88 = arith.addi %mul3A_8, %mul3A_87 : i32
      "tpu.region"() ({
        %run_scoped3A = tpu.sem_alloc : memref<!tpu.dma_semaphore, #tpu.memory_space<semaphore_mem>>
        %dma_start3A = arith.constant 0 : i32
        %dma_start3A_89 = arith.constant 0 : i32
        %dma_start3A_90 = tpu.memref_slice %arg11[%dma_start3A, %dma_start3A_89] : memref<80x144xf32, #tpu.memory_space<vmem>> -> memref<40x144xf32, #tpu.memory_space<vmem>>
        %dma_start3A_91 = arith.constant 0 : i32
        %dma_start3A_92 = tpu.memref_slice %arg15[%add3A_88, %dma_start3A_91] : memref<10000x144xf32, #tpu.memory_space<vmem_shared>> -> memref<40x144xf32, #tpu.memory_space<vmem_shared>>
        %dma_start3A_93 = arith.constant 0 : i32
        %dma_start3A_94 = tpu.memref_slice %arg15[%add3A_88, %dma_start3A_93] : memref<10000x144xf32, #tpu.memory_space<vmem_shared>> -> memref<40x144xf32, #tpu.memory_space<vmem_shared>>
        %dma_start3A_95 = arith.constant 0 : i32
        %dma_start3A_96 = arith.constant 0 : i32
        %dma_start3A_97 = tpu.memref_slice %arg11[%dma_start3A_95, %dma_start3A_96] : memref<80x144xf32, #tpu.memory_space<vmem>> -> memref<40x144xf32, #tpu.memory_space<vmem>>
        tpu.enqueue_dma source(%dma_start3A_97 : memref<40x144xf32, #tpu.memory_space<vmem>>) target(%dma_start3A_94 : memref<40x144xf32, #tpu.memory_space<vmem_shared>>) target_semaphore(%run_scoped3A : memref<!tpu.dma_semaphore, #tpu.memory_space<semaphore_mem>>)
        %dma_wait3A = arith.constant 0 : i32
        %dma_wait3A_98 = arith.constant 0 : i32
        %dma_wait3A_99 = tpu.memref_slice %arg11[%dma_wait3A, %dma_wait3A_98] : memref<80x144xf32, #tpu.memory_space<vmem>> -> memref<40x144xf32, #tpu.memory_space<vmem>>
        %dma_wait3A_100 = arith.constant 0 : i32
        %dma_wait3A_101 = tpu.memref_slice %arg15[%add3A_88, %dma_wait3A_100] : memref<10000x144xf32, #tpu.memory_space<vmem_shared>> -> memref<40x144xf32, #tpu.memory_space<vmem_shared>>
        %dma_wait3A_102 = arith.constant 0 : i32
        %dma_wait3A_103 = tpu.memref_slice %arg15[%add3A_88, %dma_wait3A_102] : memref<10000x144xf32, #tpu.memory_space<vmem_shared>> -> memref<40x144xf32, #tpu.memory_space<vmem_shared>>
        %dma_wait3A_104 = arith.constant 0 : i32
        %dma_wait3A_105 = arith.constant 0 : i32
        %dma_wait3A_106 = tpu.memref_slice %arg11[%dma_wait3A_104, %dma_wait3A_105] : memref<80x144xf32, #tpu.memory_space<vmem>> -> memref<40x144xf32, #tpu.memory_space<vmem>>
        tpu.wait_dma2 semaphore(%run_scoped3A : memref<!tpu.dma_semaphore, #tpu.memory_space<semaphore_mem>>) src(%dma_wait3A_106 : memref<40x144xf32, #tpu.memory_space<vmem>>) dst(%dma_wait3A_103 : memref<40x144xf32, #tpu.memory_space<vmem_shared>>)
        tpu.yield
      }) : () -> ()
    }
    %scan3A_14 = arith.constant 15 : i32
    %add3A_15 = arith.constant 600 : i32
    %add3A_16 = arith.addi %mul3A_8, %add3A_15 : i32
    "tpu.region"() ({
      %run_scoped3A = tpu.sem_alloc : memref<!tpu.dma_semaphore, #tpu.memory_space<semaphore_mem>>
      %dma_start3A = arith.constant 0 : i32
      %dma_start3A_85 = arith.constant 0 : i32
      %dma_start3A_86 = tpu.memref_slice %arg11[%dma_start3A, %dma_start3A_85] : memref<80x144xf32, #tpu.memory_space<vmem>> -> memref<25x144xf32, #tpu.memory_space<vmem>>
      %dma_start3A_87 = arith.constant 0 : i32
      %dma_start3A_88 = tpu.memref_slice %arg15[%add3A_16, %dma_start3A_87] : memref<10000x144xf32, #tpu.memory_space<vmem_shared>> -> memref<25x144xf32, #tpu.memory_space<vmem_shared>>
      %dma_start3A_89 = arith.constant 0 : i32
      %dma_start3A_90 = tpu.memref_slice %arg15[%add3A_16, %dma_start3A_89] : memref<10000x144xf32, #tpu.memory_space<vmem_shared>> -> memref<25x144xf32, #tpu.memory_space<vmem_shared>>
      %dma_start3A_91 = arith.constant 0 : i32
      %dma_start3A_92 = arith.constant 0 : i32
      %dma_start3A_93 = tpu.memref_slice %arg11[%dma_start3A_91, %dma_start3A_92] : memref<80x144xf32, #tpu.memory_space<vmem>> -> memref<25x144xf32, #tpu.memory_space<vmem>>
      tpu.enqueue_dma source(%dma_start3A_93 : memref<25x144xf32, #tpu.memory_space<vmem>>) target(%dma_start3A_90 : memref<25x144xf32, #tpu.memory_space<vmem_shared>>) target_semaphore(%run_scoped3A : memref<!tpu.dma_semaphore, #tpu.memory_space<semaphore_mem>>)
      %dma_wait3A = arith.constant 0 : i32
      %dma_wait3A_94 = arith.constant 0 : i32
      %dma_wait3A_95 = tpu.memref_slice %arg11[%dma_wait3A, %dma_wait3A_94] : memref<80x144xf32, #tpu.memory_space<vmem>> -> memref<25x144xf32, #tpu.memory_space<vmem>>
      %dma_wait3A_96 = arith.constant 0 : i32
      %dma_wait3A_97 = tpu.memref_slice %arg15[%add3A_16, %dma_wait3A_96] : memref<10000x144xf32, #tpu.memory_space<vmem_shared>> -> memref<25x144xf32, #tpu.memory_space<vmem_shared>>
      %dma_wait3A_98 = arith.constant 0 : i32
      %dma_wait3A_99 = tpu.memref_slice %arg15[%add3A_16, %dma_wait3A_98] : memref<10000x144xf32, #tpu.memory_space<vmem_shared>> -> memref<25x144xf32, #tpu.memory_space<vmem_shared>>
      %dma_wait3A_100 = arith.constant 0 : i32
      %dma_wait3A_101 = arith.constant 0 : i32
      %dma_wait3A_102 = tpu.memref_slice %arg11[%dma_wait3A_100, %dma_wait3A_101] : memref<80x144xf32, #tpu.memory_space<vmem>> -> memref<25x144xf32, #tpu.memory_space<vmem>>
      tpu.wait_dma2 semaphore(%run_scoped3A : memref<!tpu.dma_semaphore, #tpu.memory_space<semaphore_mem>>) src(%dma_wait3A_102 : memref<25x144xf32, #tpu.memory_space<vmem>>) dst(%dma_wait3A_99 : memref<25x144xf32, #tpu.memory_space<vmem_shared>>)
      tpu.yield
    }) : () -> ()
    %barrier3A = arith.constant 0 : index
    tpu.barrier barrier_id(%barrier3A)
    %iota3A = tpu.iota {dimensions = array<i32: 0>} : vector<16xi32>
    %eq3A = arith.constant 0 : i32
    %eq3A_17 = vector.broadcast %eq3A : i32 to vector<16xi32>
    %eq3A_18 = arith.cmpi eq, %iota3A, %eq3A_17 : vector<16xi32>
    %jit3A = arith.constant 1.000000e+00 : f32
    %jit3A_19 = arith.constant 0.000000e+00 : f32
    %broadcast_in_dim3A_20 = vector.broadcast %jit3A : f32 to vector<16xf32>
    %broadcast_in_dim3A_21 = vector.broadcast %jit3A_19 : f32 to vector<16xf32>
    %select_n3A = arith.select %eq3A_18, %broadcast_in_dim3A_20, %broadcast_in_dim3A_21 : vector<16xi1>, vector<16xf32>
    %eq3A_22 = arith.constant 1 : i32
    %eq3A_23 = vector.broadcast %eq3A_22 : i32 to vector<16xi32>
    %eq3A_24 = arith.cmpi eq, %iota3A, %eq3A_23 : vector<16xi32>
    %jit3A_25 = arith.constant 1.000000e+00 : f32
    %jit3A_26 = arith.constant 0.000000e+00 : f32
    %broadcast_in_dim3A_27 = vector.broadcast %jit3A_25 : f32 to vector<16xf32>
    %broadcast_in_dim3A_28 = vector.broadcast %jit3A_26 : f32 to vector<16xf32>
    %select_n3A_29 = arith.select %eq3A_24, %broadcast_in_dim3A_27, %broadcast_in_dim3A_28 : vector<16xi1>, vector<16xf32>
    %eq3A_30 = arith.constant 2 : i32
    %eq3A_31 = vector.broadcast %eq3A_30 : i32 to vector<16xi32>
    %eq3A_32 = arith.cmpi eq, %iota3A, %eq3A_31 : vector<16xi32>
    %jit3A_33 = arith.constant 1.000000e+00 : f32
    %jit3A_34 = arith.constant 0.000000e+00 : f32
    %broadcast_in_dim3A_35 = vector.broadcast %jit3A_33 : f32 to vector<16xf32>
    %broadcast_in_dim3A_36 = vector.broadcast %jit3A_34 : f32 to vector<16xf32>
    %select_n3A_37 = arith.select %eq3A_32, %broadcast_in_dim3A_35, %broadcast_in_dim3A_36 : vector<16xi1>, vector<16xf32>
    %eq3A_38 = arith.constant 3 : i32
    %eq3A_39 = vector.broadcast %eq3A_38 : i32 to vector<16xi32>
    %eq3A_40 = arith.cmpi eq, %iota3A, %eq3A_39 : vector<16xi32>
    %jit3A_41 = arith.constant 1.000000e+00 : f32
    %jit3A_42 = arith.constant 0.000000e+00 : f32
    %broadcast_in_dim3A_43 = vector.broadcast %jit3A_41 : f32 to vector<16xf32>
    %broadcast_in_dim3A_44 = vector.broadcast %jit3A_42 : f32 to vector<16xf32>
    %select_n3A_45 = arith.select %eq3A_40, %broadcast_in_dim3A_43, %broadcast_in_dim3A_44 : vector<16xi1>, vector<16xf32>
    %eq3A_46 = arith.constant 4 : i32
    %eq3A_47 = vector.broadcast %eq3A_46 : i32 to vector<16xi32>
    %eq3A_48 = arith.cmpi eq, %iota3A, %eq3A_47 : vector<16xi32>
    %jit3A_49 = arith.constant 1.000000e+00 : f32
    %jit3A_50 = arith.constant 0.000000e+00 : f32
    %broadcast_in_dim3A_51 = vector.broadcast %jit3A_49 : f32 to vector<16xf32>
    %broadcast_in_dim3A_52 = vector.broadcast %jit3A_50 : f32 to vector<16xf32>
    %select_n3A_53 = arith.select %eq3A_48, %broadcast_in_dim3A_51, %broadcast_in_dim3A_52 : vector<16xi1>, vector<16xf32>
    %eq3A_54 = arith.constant 5 : i32
    %eq3A_55 = vector.broadcast %eq3A_54 : i32 to vector<16xi32>
    %eq3A_56 = arith.cmpi eq, %iota3A, %eq3A_55 : vector<16xi32>
    %jit3A_57 = arith.constant 1.000000e+00 : f32
    %jit3A_58 = arith.constant 0.000000e+00 : f32
    %broadcast_in_dim3A_59 = vector.broadcast %jit3A_57 : f32 to vector<16xf32>
    %broadcast_in_dim3A_60 = vector.broadcast %jit3A_58 : f32 to vector<16xf32>
    %select_n3A_61 = arith.select %eq3A_56, %broadcast_in_dim3A_59, %broadcast_in_dim3A_60 : vector<16xi1>, vector<16xf32>
    %eq3A_62 = arith.constant 6 : i32
    %eq3A_63 = vector.broadcast %eq3A_62 : i32 to vector<16xi32>
    %eq3A_64 = arith.cmpi eq, %iota3A, %eq3A_63 : vector<16xi32>
    %jit3A_65 = arith.constant 1.000000e+00 : f32
    %jit3A_66 = arith.constant 0.000000e+00 : f32
    %broadcast_in_dim3A_67 = vector.broadcast %jit3A_65 : f32 to vector<16xf32>
    %broadcast_in_dim3A_68 = vector.broadcast %jit3A_66 : f32 to vector<16xf32>
    %select_n3A_69 = arith.select %eq3A_64, %broadcast_in_dim3A_67, %broadcast_in_dim3A_68 : vector<16xi1>, vector<16xf32>
    %eq3A_70 = arith.constant 7 : i32
    %eq3A_71 = vector.broadcast %eq3A_70 : i32 to vector<16xi32>
    %eq3A_72 = arith.cmpi eq, %iota3A, %eq3A_71 : vector<16xi32>
    %jit3A_73 = arith.constant 1.000000e+00 : f32
    %jit3A_74 = arith.constant 0.000000e+00 : f32
    %broadcast_in_dim3A_75 = vector.broadcast %jit3A_73 : f32 to vector<16xf32>
    %broadcast_in_dim3A_76 = vector.broadcast %jit3A_74 : f32 to vector<16xf32>
    %select_n3A_77 = arith.select %eq3A_72, %broadcast_in_dim3A_75, %broadcast_in_dim3A_76 : vector<16xi1>, vector<16xf32>
    %scan3A_78 = arith.constant 0 : i32
    %scan3A_79 = arith.constant 0 : i32
    %scan3A_80 = arith.constant 5 : i32
    %scan3A_81 = arith.addi %scan3A_79, %scan3A_80 : i32
    %scan3A_82 = arith.constant 1 : i32
    scf.for %scan3A_85 = %scan3A_79 to %scan3A_81 step %scan3A_82  : i32 {
      %mul3A_86 = arith.constant 50 : i32
      %mul3A_87 = arith.muli %scan3A_85, %mul3A_86 : i32
      "tpu.region"() ({
        %run_scoped3A = tpu.sem_alloc : memref<!tpu.dma_semaphore, #tpu.memory_space<semaphore_mem>>
        %dma_start3A_196 = arith.constant 0 : i32
        %dma_start3A_197 = tpu.memref_slice %arg4[%add3A, %mul3A_87, %dma_start3A_196] : memref<32x250x40xi32, #tpu.memory_space<hbm>> -> memref<1x50x40xi32, #tpu.memory_space<hbm>>
        %dma_start3A_198 = tpu.memref_squeeze %dma_start3A_197 : memref<1x50x40xi32, #tpu.memory_space<hbm>> -> memref<50x40xi32, #tpu.memory_space<hbm>>
        %dma_start3A_199 = arith.constant 0 : i32
        %dma_start3A_200 = tpu.memref_slice %arg4[%add3A, %mul3A_87, %dma_start3A_199] : memref<32x250x40xi32, #tpu.memory_space<hbm>> -> memref<1x50x40xi32, #tpu.memory_space<hbm>>
        %dma_start3A_201 = tpu.memref_squeeze %dma_start3A_200 : memref<1x50x40xi32, #tpu.memory_space<hbm>> -> memref<50x40xi32, #tpu.memory_space<hbm>>
        tpu.enqueue_dma source(%dma_start3A_201 : memref<50x40xi32, #tpu.memory_space<hbm>>) target(%arg7 : memref<50x40xi32, #tpu.memory_space<vmem>>) target_semaphore(%run_scoped3A : memref<!tpu.dma_semaphore, #tpu.memory_space<semaphore_mem>>)
        %dma_wait3A_202 = arith.constant 0 : i32
        %dma_wait3A_203 = tpu.memref_slice %arg4[%add3A, %mul3A_87, %dma_wait3A_202] : memref<32x250x40xi32, #tpu.memory_space<hbm>> -> memref<1x50x40xi32, #tpu.memory_space<hbm>>
        %dma_wait3A_204 = tpu.memref_squeeze %dma_wait3A_203 : memref<1x50x40xi32, #tpu.memory_space<hbm>> -> memref<50x40xi32, #tpu.memory_space<hbm>>
        %dma_wait3A_205 = arith.constant 0 : i32
        %dma_wait3A_206 = tpu.memref_slice %arg4[%add3A, %mul3A_87, %dma_wait3A_205] : memref<32x250x40xi32, #tpu.memory_space<hbm>> -> memref<1x50x40xi32, #tpu.memory_space<hbm>>
        %dma_wait3A_207 = tpu.memref_squeeze %dma_wait3A_206 : memref<1x50x40xi32, #tpu.memory_space<hbm>> -> memref<50x40xi32, #tpu.memory_space<hbm>>
        tpu.wait_dma2 semaphore(%run_scoped3A : memref<!tpu.dma_semaphore, #tpu.memory_space<semaphore_mem>>) src(%dma_wait3A_207 : memref<50x40xi32, #tpu.memory_space<hbm>>) dst(%arg7 : memref<50x40xi32, #tpu.memory_space<vmem>>)
        tpu.yield
      }) : () -> ()
      %mul3A_88 = arith.constant 50 : i32
      %mul3A_89 = arith.muli %scan3A_85, %mul3A_88 : i32
      "tpu.region"() ({
        %run_scoped3A = tpu.sem_alloc : memref<!tpu.dma_semaphore, #tpu.memory_space<semaphore_mem>>
        %dma_start3A_196 = arith.constant 0 : i32
        %dma_start3A_197 = tpu.memref_slice %arg5[%add3A, %mul3A_89, %dma_start3A_196] : memref<32x250x40xi32, #tpu.memory_space<hbm>> -> memref<1x50x40xi32, #tpu.memory_space<hbm>>
        %dma_start3A_198 = tpu.memref_squeeze %dma_start3A_197 : memref<1x50x40xi32, #tpu.memory_space<hbm>> -> memref<50x40xi32, #tpu.memory_space<hbm>>
        %dma_start3A_199 = arith.constant 0 : i32
        %dma_start3A_200 = tpu.memref_slice %arg5[%add3A, %mul3A_89, %dma_start3A_199] : memref<32x250x40xi32, #tpu.memory_space<hbm>> -> memref<1x50x40xi32, #tpu.memory_space<hbm>>
        %dma_start3A_201 = tpu.memref_squeeze %dma_start3A_200 : memref<1x50x40xi32, #tpu.memory_space<hbm>> -> memref<50x40xi32, #tpu.memory_space<hbm>>
        tpu.enqueue_dma source(%dma_start3A_201 : memref<50x40xi32, #tpu.memory_space<hbm>>) target(%arg8 : memref<50x40xi32, #tpu.memory_space<vmem>>) target_semaphore(%run_scoped3A : memref<!tpu.dma_semaphore, #tpu.memory_space<semaphore_mem>>)
        %dma_wait3A_202 = arith.constant 0 : i32
        %dma_wait3A_203 = tpu.memref_slice %arg5[%add3A, %mul3A_89, %dma_wait3A_202] : memref<32x250x40xi32, #tpu.memory_space<hbm>> -> memref<1x50x40xi32, #tpu.memory_space<hbm>>
        %dma_wait3A_204 = tpu.memref_squeeze %dma_wait3A_203 : memref<1x50x40xi32, #tpu.memory_space<hbm>> -> memref<50x40xi32, #tpu.memory_space<hbm>>
        %dma_wait3A_205 = arith.constant 0 : i32
        %dma_wait3A_206 = tpu.memref_slice %arg5[%add3A, %mul3A_89, %dma_wait3A_205] : memref<32x250x40xi32, #tpu.memory_space<hbm>> -> memref<1x50x40xi32, #tpu.memory_space<hbm>>
        %dma_wait3A_207 = tpu.memref_squeeze %dma_wait3A_206 : memref<1x50x40xi32, #tpu.memory_space<hbm>> -> memref<50x40xi32, #tpu.memory_space<hbm>>
        tpu.wait_dma2 semaphore(%run_scoped3A : memref<!tpu.dma_semaphore, #tpu.memory_space<semaphore_mem>>) src(%dma_wait3A_207 : memref<50x40xi32, #tpu.memory_space<hbm>>) dst(%arg8 : memref<50x40xi32, #tpu.memory_space<vmem>>)
        tpu.yield
      }) : () -> ()
      %dma_start3A = arith.constant 0 : i32
      %dma_start3A_90 = arith.constant 0 : i32
      %dma_start3A_91 = arith.constant 0 : i32
      %dma_start3A_92 = tpu.memref_slice %arg9[%dma_start3A_90, %dma_start3A_91] : memref<120x256xbf16, #tpu.memory_space<vmem>> -> memref<40x256xbf16, #tpu.memory_space<vmem>>
      %dma_start3A_93 = arith.constant 0 : i32
      %dma_start3A_94 = tpu.memref_slice %arg7[%dma_start3A, %dma_start3A_93] : memref<50x40xi32, #tpu.memory_space<vmem>> -> memref<1x40xi32, #tpu.memory_space<vmem>>
      %dma_start3A_95 = tpu.memref_squeeze %dma_start3A_94 : memref<1x40xi32, #tpu.memory_space<vmem>> -> memref<40xi32, #tpu.memory_space<vmem>>
      %dma_start3A_96 = arith.constant 0 : i32
      %dma_start3A_97 = arith.constant 0 : i32
      %dma_start3A_98 = tpu.memref_slice %arg2[%dma_start3A_96, %dma_start3A_97] : memref<10000x256xbf16, #tpu.memory_space<hbm>> -> memref<10000x256xbf16, #tpu.memory_space<hbm>>
      tpu.enqueue_indirect_dma source(%dma_start3A_98 : memref<10000x256xbf16, #tpu.memory_space<hbm>>) target(%dma_start3A_92 : memref<40x256xbf16, #tpu.memory_space<vmem>>) offsets(%dma_start3A_95 : memref<40xi32, #tpu.memory_space<vmem>>) semaphore(%arg12 : memref<!tpu.dma_semaphore, #tpu.memory_space<semaphore_mem>>)
      %dma_start3A_99 = arith.constant 0 : i32
      %dma_start3A_100 = arith.constant 0 : i32
      %dma_start3A_101 = arith.constant 0 : i32
      %dma_start3A_102 = tpu.memref_slice %arg10[%dma_start3A_100, %dma_start3A_101] : memref<120x128xbf16, #tpu.memory_space<vmem>> -> memref<40x128xbf16, #tpu.memory_space<vmem>>
      %dma_start3A_103 = arith.constant 0 : i32
      %dma_start3A_104 = tpu.memref_slice %arg8[%dma_start3A_99, %dma_start3A_103] : memref<50x40xi32, #tpu.memory_space<vmem>> -> memref<1x40xi32, #tpu.memory_space<vmem>>
      %dma_start3A_105 = tpu.memref_squeeze %dma_start3A_104 : memref<1x40xi32, #tpu.memory_space<vmem>> -> memref<40xi32, #tpu.memory_space<vmem>>
      %dma_start3A_106 = arith.constant 0 : i32
      %dma_start3A_107 = arith.constant 0 : i32
      %dma_start3A_108 = tpu.memref_slice %arg3[%dma_start3A_106, %dma_start3A_107] : memref<10000x128xbf16, #tpu.memory_space<hbm>> -> memref<10000x128xbf16, #tpu.memory_space<hbm>>
      tpu.enqueue_indirect_dma source(%dma_start3A_108 : memref<10000x128xbf16, #tpu.memory_space<hbm>>) target(%dma_start3A_102 : memref<40x128xbf16, #tpu.memory_space<vmem>>) offsets(%dma_start3A_105 : memref<40xi32, #tpu.memory_space<vmem>>) semaphore(%arg13 : memref<!tpu.dma_semaphore, #tpu.memory_space<semaphore_mem>>)
      %dma_start3A_109 = arith.constant 1 : i32
      %dma_start3A_110 = arith.constant 40 : i32
      %dma_start3A_111 = arith.constant 0 : i32
      %dma_start3A_112 = tpu.memref_slice %arg9[%dma_start3A_110, %dma_start3A_111] : memref<120x256xbf16, #tpu.memory_space<vmem>> -> memref<40x256xbf16, #tpu.memory_space<vmem>>
      %dma_start3A_113 = arith.constant 0 : i32
      %dma_start3A_114 = tpu.memref_slice %arg7[%dma_start3A_109, %dma_start3A_113] : memref<50x40xi32, #tpu.memory_space<vmem>> -> memref<1x40xi32, #tpu.memory_space<vmem>>
      %dma_start3A_115 = tpu.memref_squeeze %dma_start3A_114 : memref<1x40xi32, #tpu.memory_space<vmem>> -> memref<40xi32, #tpu.memory_space<vmem>>
      %dma_start3A_116 = arith.constant 0 : i32
      %dma_start3A_117 = arith.constant 0 : i32
      %dma_start3A_118 = tpu.memref_slice %arg2[%dma_start3A_116, %dma_start3A_117] : memref<10000x256xbf16, #tpu.memory_space<hbm>> -> memref<10000x256xbf16, #tpu.memory_space<hbm>>
      tpu.enqueue_indirect_dma source(%dma_start3A_118 : memref<10000x256xbf16, #tpu.memory_space<hbm>>) target(%dma_start3A_112 : memref<40x256xbf16, #tpu.memory_space<vmem>>) offsets(%dma_start3A_115 : memref<40xi32, #tpu.memory_space<vmem>>) semaphore(%arg12 : memref<!tpu.dma_semaphore, #tpu.memory_space<semaphore_mem>>)
      %dma_start3A_119 = arith.constant 1 : i32
      %dma_start3A_120 = arith.constant 40 : i32
      %dma_start3A_121 = arith.constant 0 : i32
      %dma_start3A_122 = tpu.memref_slice %arg10[%dma_start3A_120, %dma_start3A_121] : memref<120x128xbf16, #tpu.memory_space<vmem>> -> memref<40x128xbf16, #tpu.memory_space<vmem>>
      %dma_start3A_123 = arith.constant 0 : i32
      %dma_start3A_124 = tpu.memref_slice %arg8[%dma_start3A_119, %dma_start3A_123] : memref<50x40xi32, #tpu.memory_space<vmem>> -> memref<1x40xi32, #tpu.memory_space<vmem>>
      %dma_start3A_125 = tpu.memref_squeeze %dma_start3A_124 : memref<1x40xi32, #tpu.memory_space<vmem>> -> memref<40xi32, #tpu.memory_space<vmem>>
      %dma_start3A_126 = arith.constant 0 : i32
      %dma_start3A_127 = arith.constant 0 : i32
      %dma_start3A_128 = tpu.memref_slice %arg3[%dma_start3A_126, %dma_start3A_127] : memref<10000x128xbf16, #tpu.memory_space<hbm>> -> memref<10000x128xbf16, #tpu.memory_space<hbm>>
      tpu.enqueue_indirect_dma source(%dma_start3A_128 : memref<10000x128xbf16, #tpu.memory_space<hbm>>) target(%dma_start3A_122 : memref<40x128xbf16, #tpu.memory_space<vmem>>) offsets(%dma_start3A_125 : memref<40xi32, #tpu.memory_space<vmem>>) semaphore(%arg13 : memref<!tpu.dma_semaphore, #tpu.memory_space<semaphore_mem>>)
      %scan3A_129 = arith.constant 0 : i32
      %scan3A_130 = arith.constant 0 : i32
      %scan3A_131 = arith.constant 0 : i32
      %scan3A_132 = arith.constant 50 : i32
      %scan3A_133 = arith.addi %scan3A_131, %scan3A_132 : i32
      %scan3A_134 = arith.constant 1 : i32
      %scan3A_135:2 = scf.for %scan3A_196 = %scan3A_131 to %scan3A_133 step %scan3A_134 iter_args(%scan3A_197 = %scan3A_129, %scan3A_198 = %scan3A_130) -> (i32, i32)  : i32 {
        %add3A_199 = arith.constant 2 : i32
        %add3A_200 = arith.addi %scan3A_196, %add3A_199 : i32
        %lt3A = arith.constant 50 : i32
        %lt3A_201 = arith.cmpi slt, %add3A_200, %lt3A : i32
        %add3A_202 = arith.constant 2 : i32
        %add3A_203 = arith.addi %scan3A_196, %add3A_202 : i32
        %jit3A_204 = arith.constant 49 : i32
        %select_n3A_205 = arith.select %lt3A_201, %add3A_203, %jit3A_204 : i32
        %eq3A_206 = arith.constant 0 : i32
        %eq3A_207 = arith.cmpi eq, %scan3A_197, %eq3A_206 : i32
        %sub3A = arith.constant 1 : i32
        %sub3A_208 = arith.subi %scan3A_197, %sub3A : i32
        %jit3A_209 = arith.constant 2 : i32
        %select_n3A_210 = arith.select %eq3A_207, %jit3A_209, %sub3A_208 : i32
        %mul3A_211 = arith.constant 40 : i32
        %mul3A_212 = arith.muli %select_n3A_210, %mul3A_211 : i32
        %dma_start3A_213 = arith.constant 0 : i32
        %dma_start3A_214 = tpu.memref_slice %arg9[%mul3A_212, %dma_start3A_213] : memref<120x256xbf16, #tpu.memory_space<vmem>> -> memref<40x256xbf16, #tpu.memory_space<vmem>>
        %dma_start3A_215 = arith.constant 0 : i32
        %dma_start3A_216 = tpu.memref_slice %arg7[%select_n3A_205, %dma_start3A_215] : memref<50x40xi32, #tpu.memory_space<vmem>> -> memref<1x40xi32, #tpu.memory_space<vmem>>
        %dma_start3A_217 = tpu.memref_squeeze %dma_start3A_216 : memref<1x40xi32, #tpu.memory_space<vmem>> -> memref<40xi32, #tpu.memory_space<vmem>>
        %dma_start3A_218 = arith.constant 0 : i32
        %dma_start3A_219 = arith.constant 0 : i32
        %dma_start3A_220 = tpu.memref_slice %arg2[%dma_start3A_218, %dma_start3A_219] : memref<10000x256xbf16, #tpu.memory_space<hbm>> -> memref<10000x256xbf16, #tpu.memory_space<hbm>>
        tpu.enqueue_indirect_dma source(%dma_start3A_220 : memref<10000x256xbf16, #tpu.memory_space<hbm>>) target(%dma_start3A_214 : memref<40x256xbf16, #tpu.memory_space<vmem>>) offsets(%dma_start3A_217 : memref<40xi32, #tpu.memory_space<vmem>>) semaphore(%arg12 : memref<!tpu.dma_semaphore, #tpu.memory_space<semaphore_mem>>)
        %mul3A_221 = arith.constant 40 : i32
        %mul3A_222 = arith.muli %select_n3A_210, %mul3A_221 : i32
        %dma_start3A_223 = arith.constant 0 : i32
        %dma_start3A_224 = tpu.memref_slice %arg10[%mul3A_222, %dma_start3A_223] : memref<120x128xbf16, #tpu.memory_space<vmem>> -> memref<40x128xbf16, #tpu.memory_space<vmem>>
        %dma_start3A_225 = arith.constant 0 : i32
        %dma_start3A_226 = tpu.memref_slice %arg8[%select_n3A_205, %dma_start3A_225] : memref<50x40xi32, #tpu.memory_space<vmem>> -> memref<1x40xi32, #tpu.memory_space<vmem>>
        %dma_start3A_227 = tpu.memref_squeeze %dma_start3A_226 : memref<1x40xi32, #tpu.memory_space<vmem>> -> memref<40xi32, #tpu.memory_space<vmem>>
        %dma_start3A_228 = arith.constant 0 : i32
        %dma_start3A_229 = arith.constant 0 : i32
        %dma_start3A_230 = tpu.memref_slice %arg3[%dma_start3A_228, %dma_start3A_229] : memref<10000x128xbf16, #tpu.memory_space<hbm>> -> memref<10000x128xbf16, #tpu.memory_space<hbm>>
        tpu.enqueue_indirect_dma source(%dma_start3A_230 : memref<10000x128xbf16, #tpu.memory_space<hbm>>) target(%dma_start3A_224 : memref<40x128xbf16, #tpu.memory_space<vmem>>) offsets(%dma_start3A_227 : memref<40xi32, #tpu.memory_space<vmem>>) semaphore(%arg13 : memref<!tpu.dma_semaphore, #tpu.memory_space<semaphore_mem>>)
        %mul3A_231 = arith.constant 40 : i32
        %mul3A_232 = arith.muli %scan3A_197, %mul3A_231 : i32
        %dma_wait3A_233 = arith.constant 0 : i32
        %dma_wait3A_234 = tpu.memref_slice %arg9[%mul3A_232, %dma_wait3A_233] : memref<120x256xbf16, #tpu.memory_space<vmem>> -> memref<40x256xbf16, #tpu.memory_space<vmem>>
        %dma_wait3A_235 = arith.constant 0 : i32
        %dma_wait3A_236 = tpu.memref_slice %arg7[%scan3A_196, %dma_wait3A_235] : memref<50x40xi32, #tpu.memory_space<vmem>> -> memref<1x40xi32, #tpu.memory_space<vmem>>
        %dma_wait3A_237 = tpu.memref_squeeze %dma_wait3A_236 : memref<1x40xi32, #tpu.memory_space<vmem>> -> memref<40xi32, #tpu.memory_space<vmem>>
        %dma_wait3A_238 = arith.constant 0 : i32
        %dma_wait3A_239 = arith.constant 0 : i32
        %dma_wait3A_240 = tpu.memref_slice %arg2[%dma_wait3A_238, %dma_wait3A_239] : memref<10000x256xbf16, #tpu.memory_space<hbm>> -> memref<10000x256xbf16, #tpu.memory_space<hbm>>
        tpu.wait_indirect_dma semaphore(%arg12 : memref<!tpu.dma_semaphore, #tpu.memory_space<semaphore_mem>>) src(%dma_wait3A_240 : memref<10000x256xbf16, #tpu.memory_space<hbm>>) dst(%dma_wait3A_234 : memref<40x256xbf16, #tpu.memory_space<vmem>>)
        %mul3A_241 = arith.constant 40 : i32
        %mul3A_242 = arith.muli %scan3A_197, %mul3A_241 : i32
        %dma_wait3A_243 = arith.constant 0 : i32
        %dma_wait3A_244 = tpu.memref_slice %arg10[%mul3A_242, %dma_wait3A_243] : memref<120x128xbf16, #tpu.memory_space<vmem>> -> memref<40x128xbf16, #tpu.memory_space<vmem>>
        %dma_wait3A_245 = arith.constant 0 : i32
        %dma_wait3A_246 = tpu.memref_slice %arg8[%scan3A_196, %dma_wait3A_245] : memref<50x40xi32, #tpu.memory_space<vmem>> -> memref<1x40xi32, #tpu.memory_space<vmem>>
        %dma_wait3A_247 = tpu.memref_squeeze %dma_wait3A_246 : memref<1x40xi32, #tpu.memory_space<vmem>> -> memref<40xi32, #tpu.memory_space<vmem>>
        %dma_wait3A_248 = arith.constant 0 : i32
        %dma_wait3A_249 = arith.constant 0 : i32
        %dma_wait3A_250 = tpu.memref_slice %arg3[%dma_wait3A_248, %dma_wait3A_249] : memref<10000x128xbf16, #tpu.memory_space<hbm>> -> memref<10000x128xbf16, #tpu.memory_space<hbm>>
        tpu.wait_indirect_dma semaphore(%arg13 : memref<!tpu.dma_semaphore, #tpu.memory_space<semaphore_mem>>) src(%dma_wait3A_250 : memref<10000x128xbf16, #tpu.memory_space<hbm>>) dst(%dma_wait3A_244 : memref<40x128xbf16, #tpu.memory_space<vmem>>)
        %ge3A = arith.constant 2 : i32
        %ge3A_251 = arith.cmpi sge, %scan3A_196, %ge3A : i32
        %convert_element_type3A = arith.extui %ge3A_251 : i1 to i32
        %cond3A = arith.constant 0 : i32
        %cond3A_252 = arith.cmpi ne, %convert_element_type3A, %cond3A : i32
        scf.if %cond3A_252 {
          %mul3A_279 = arith.constant 40 : i32
          %mul3A_280 = arith.muli %scan3A_198, %mul3A_279 : i32
          %dma_wait3A_281 = arith.constant 0 : i32
          %dma_wait3A_282 = tpu.memref_slice %arg11[%mul3A_280, %dma_wait3A_281] : memref<80x144xf32, #tpu.memory_space<vmem>> -> memref<40x144xf32, #tpu.memory_space<vmem>>
          %dma_wait3A_283 = arith.constant 0 : i32
          %dma_wait3A_284 = tpu.memref_slice %arg8[%scan3A_196, %dma_wait3A_283] : memref<50x40xi32, #tpu.memory_space<vmem>> -> memref<1x40xi32, #tpu.memory_space<vmem>>
          %dma_wait3A_285 = tpu.memref_squeeze %dma_wait3A_284 : memref<1x40xi32, #tpu.memory_space<vmem>> -> memref<40xi32, #tpu.memory_space<vmem>>
          %dma_wait3A_286 = arith.constant 0 : i32
          %dma_wait3A_287 = arith.constant 0 : i32
          %dma_wait3A_288 = tpu.memref_slice %arg15[%dma_wait3A_286, %dma_wait3A_287] : memref<10000x144xf32, #tpu.memory_space<vmem_shared>> -> memref<10000x144xf32, #tpu.memory_space<vmem_shared>>
          tpu.wait_indirect_dma semaphore(%arg14 : memref<!tpu.dma_semaphore, #tpu.memory_space<semaphore_mem>>) src(%dma_wait3A_282 : memref<40x144xf32, #tpu.memory_space<vmem>>) dst(%dma_wait3A_288 : memref<10000x144xf32, #tpu.memory_space<vmem_shared>>)
        } else {
        }
        %mul3A_253 = arith.constant 40 : i32
        %mul3A_254 = arith.muli %scan3A_197, %mul3A_253 : i32
        %mul3A_255 = arith.constant 40 : i32
        %mul3A_256 = arith.muli %scan3A_198, %mul3A_255 : i32
        %parallel_loop3A = arith.constant 0 : i32
        %parallel_loop3A_257 = arith.constant 40 : i32
        %parallel_loop3A_258 = arith.constant 1 : i32
        scf.for %parallel_loop3A_279 = %parallel_loop3A to %parallel_loop3A_257 step %parallel_loop3A_258  : i32 {
          %parallel_loop3A_280 = arith.constant 0.000000e+00 : f32
          %parallel_loop3A_281 = vector.broadcast %parallel_loop3A_280 : f32 to vector<16xf32>
          %parallel_loop3A_282 = arith.addi %mul3A_254, %parallel_loop3A_279 : i32
          %parallel_loop3A_283 = arith.index_cast %parallel_loop3A_282 : i32 to index
          %parallel_loop3A_284 = arith.constant 0 : index
          %parallel_loop3A_285 = tpu.vector_load %arg9[%parallel_loop3A_283, %parallel_loop3A_284] {strides = array<i32>} : memref<120x256xbf16, #tpu.memory_space<vmem>>, vector<32xbf16>,
          %parallel_loop3A_286 = arith.addi %mul3A_254, %parallel_loop3A_279 : i32
          %parallel_loop3A_287 = arith.index_cast %parallel_loop3A_286 : i32 to index
          %parallel_loop3A_288 = arith.constant 0 : index
          %parallel_loop3A_289 = tpu.vector_load %arg10[%parallel_loop3A_287, %parallel_loop3A_288] {strides = array<i32>} : memref<120x128xbf16, #tpu.memory_space<vmem>>, vector<32xbf16>,
          %parallel_loop3A_290 = arith.addi %mul3A_254, %parallel_loop3A_279 : i32
          %parallel_loop3A_291 = arith.index_cast %parallel_loop3A_290 : i32 to index
          %parallel_loop3A_292 = arith.constant 128 : index
          %parallel_loop3A_293 = tpu.vector_load %arg9[%parallel_loop3A_291, %parallel_loop3A_292] {strides = array<i32>} : memref<120x256xbf16, #tpu.memory_space<vmem>>, vector<32xbf16>,
          %parallel_loop3A_294 = tpu.unpack_subelements %parallel_loop3A_285, 0 {pack_format = #tpu.pack_format<interleaved>} : vector<32xbf16> -> vector<16xf32>
          %parallel_loop3A_295 = tpu.unpack_subelements %parallel_loop3A_285, 1 {pack_format = #tpu.pack_format<interleaved>} : vector<32xbf16> -> vector<16xf32>
          %parallel_loop3A_296 = tpu.unpack_subelements %parallel_loop3A_289, 0 {pack_format = #tpu.pack_format<interleaved>} : vector<32xbf16> -> vector<16xf32>
          %parallel_loop3A_297 = tpu.unpack_subelements %parallel_loop3A_289, 1 {pack_format = #tpu.pack_format<interleaved>} : vector<32xbf16> -> vector<16xf32>
          %parallel_loop3A_298 = tpu.unpack_subelements %parallel_loop3A_293, 0 {pack_format = #tpu.pack_format<interleaved>} : vector<32xbf16> -> vector<16xf32>
          %parallel_loop3A_299 = tpu.unpack_subelements %parallel_loop3A_293, 1 {pack_format = #tpu.pack_format<interleaved>} : vector<32xbf16> -> vector<16xf32>
          %parallel_loop3A_300 = arith.mulf %parallel_loop3A_294, %parallel_loop3A_296 : vector<16xf32>
          %parallel_loop3A_301 = arith.constant true
          %parallel_loop3A_302 = vector.broadcast %parallel_loop3A_301 : i1 to vector<16xi1>
          %parallel_loop3A_303 = tpu.scan <sum>, %parallel_loop3A_300 masked %parallel_loop3A_302 : vector<16xf32>, vector<16xi1> -> vector<16xf32>
          %parallel_loop3A_304 = arith.constant 15 : i32
          %parallel_loop3A_305 = vector.broadcast %parallel_loop3A_304 : i32 to vector<16xi32>
          %parallel_loop3A_306 = tpu.iota {dimensions = array<i32: 0>} : vector<16xi32>
          %parallel_loop3A_307 = arith.subi %parallel_loop3A_305, %parallel_loop3A_306 : vector<16xi32>
          %parallel_loop3A_308 = tpu.dynamic_gather %parallel_loop3A_303[%parallel_loop3A_307] in [0] : vector<16xf32>, vector<16xi32> -> vector<16xf32>
          %parallel_loop3A_309 = arith.mulf %parallel_loop3A_308, %select_n3A : vector<16xf32>
          %parallel_loop3A_310 = arith.constant true
          %parallel_loop3A_311 = vector.broadcast %parallel_loop3A_310 : i1 to vector<16xi1>
          %parallel_loop3A_312 = tpu.scan <sum>, %parallel_loop3A_309 masked %parallel_loop3A_311 : vector<16xf32>, vector<16xi1> -> vector<16xf32>
          %parallel_loop3A_313 = arith.constant -5.000000e+00 : f32
          %parallel_loop3A_314 = vector.broadcast %parallel_loop3A_313 : f32 to vector<16xf32>
          %parallel_loop3A_315 = arith.maximumf %parallel_loop3A_312, %parallel_loop3A_314 : vector<16xf32>
          %parallel_loop3A_316 = arith.constant 5.000000e+00 : f32
          %parallel_loop3A_317 = vector.broadcast %parallel_loop3A_316 : f32 to vector<16xf32>
          %parallel_loop3A_318 = arith.minimumf %parallel_loop3A_315, %parallel_loop3A_317 : vector<16xf32>
          %parallel_loop3A_319 = math.exp %parallel_loop3A_318 : vector<16xf32>
          %parallel_loop3A_320 = arith.mulf %parallel_loop3A_298, %parallel_loop3A_319 : vector<16xf32>
          %parallel_loop3A_321 = arith.addi %mul3A_256, %parallel_loop3A_279 : i32
          %parallel_loop3A_322 = arith.index_cast %parallel_loop3A_321 : i32 to index
          %parallel_loop3A_323 = arith.constant 0 : index
          %parallel_loop3A_324 = tpu.vector_load %arg11[%parallel_loop3A_322, %parallel_loop3A_323] {strides = array<i32>} : memref<80x144xf32, #tpu.memory_space<vmem>>, vector<16xf32>,
          tpu.vector_store %arg11[%parallel_loop3A_322, %parallel_loop3A_323], %parallel_loop3A_320 {strides = array<i32>} : memref<80x144xf32, #tpu.memory_space<vmem>>, vector<16xf32>,
          %parallel_loop3A_325 = arith.mulf %select_n3A, %parallel_loop3A_319 : vector<16xf32>
          %parallel_loop3A_326 = arith.addf %parallel_loop3A_281, %parallel_loop3A_325 : vector<16xf32>
          %parallel_loop3A_327 = arith.mulf %parallel_loop3A_295, %parallel_loop3A_297 : vector<16xf32>
          %parallel_loop3A_328 = arith.constant true
          %parallel_loop3A_329 = vector.broadcast %parallel_loop3A_328 : i1 to vector<16xi1>
          %parallel_loop3A_330 = tpu.scan <sum>, %parallel_loop3A_327 masked %parallel_loop3A_329 : vector<16xf32>, vector<16xi1> -> vector<16xf32>
          %parallel_loop3A_331 = arith.constant 15 : i32
          %parallel_loop3A_332 = vector.broadcast %parallel_loop3A_331 : i32 to vector<16xi32>
          %parallel_loop3A_333 = tpu.iota {dimensions = array<i32: 0>} : vector<16xi32>
          %parallel_loop3A_334 = arith.subi %parallel_loop3A_332, %parallel_loop3A_333 : vector<16xi32>
          %parallel_loop3A_335 = tpu.dynamic_gather %parallel_loop3A_330[%parallel_loop3A_334] in [0] : vector<16xf32>, vector<16xi32> -> vector<16xf32>
          %parallel_loop3A_336 = arith.mulf %parallel_loop3A_335, %select_n3A : vector<16xf32>
          %parallel_loop3A_337 = arith.constant true
          %parallel_loop3A_338 = vector.broadcast %parallel_loop3A_337 : i1 to vector<16xi1>
          %parallel_loop3A_339 = tpu.scan <sum>, %parallel_loop3A_336 masked %parallel_loop3A_338 : vector<16xf32>, vector<16xi1> -> vector<16xf32>
          %parallel_loop3A_340 = arith.constant -5.000000e+00 : f32
          %parallel_loop3A_341 = vector.broadcast %parallel_loop3A_340 : f32 to vector<16xf32>
          %parallel_loop3A_342 = arith.maximumf %parallel_loop3A_339, %parallel_loop3A_341 : vector<16xf32>
          %parallel_loop3A_343 = arith.constant 5.000000e+00 : f32
          %parallel_loop3A_344 = vector.broadcast %parallel_loop3A_343 : f32 to vector<16xf32>
          %parallel_loop3A_345 = arith.minimumf %parallel_loop3A_342, %parallel_loop3A_344 : vector<16xf32>
          %parallel_loop3A_346 = math.exp %parallel_loop3A_345 : vector<16xf32>
          %parallel_loop3A_347 = arith.mulf %parallel_loop3A_299, %parallel_loop3A_346 : vector<16xf32>
          %parallel_loop3A_348 = arith.addi %mul3A_256, %parallel_loop3A_279 : i32
          %parallel_loop3A_349 = arith.index_cast %parallel_loop3A_348 : i32 to index
          %parallel_loop3A_350 = arith.constant 16 : index
          %parallel_loop3A_351 = tpu.vector_load %arg11[%parallel_loop3A_349, %parallel_loop3A_350] {strides = array<i32>} : memref<80x144xf32, #tpu.memory_space<vmem>>, vector<16xf32>,
          tpu.vector_store %arg11[%parallel_loop3A_349, %parallel_loop3A_350], %parallel_loop3A_347 {strides = array<i32>} : memref<80x144xf32, #tpu.memory_space<vmem>>, vector<16xf32>,
          %parallel_loop3A_352 = arith.mulf %select_n3A_29, %parallel_loop3A_346 : vector<16xf32>
          %parallel_loop3A_353 = arith.addf %parallel_loop3A_326, %parallel_loop3A_352 : vector<16xf32>
          %parallel_loop3A_354 = arith.addi %mul3A_254, %parallel_loop3A_279 : i32
          %parallel_loop3A_355 = arith.index_cast %parallel_loop3A_354 : i32 to index
          %parallel_loop3A_356 = arith.constant 32 : index
          %parallel_loop3A_357 = tpu.vector_load %arg9[%parallel_loop3A_355, %parallel_loop3A_356] {strides = array<i32>} : memref<120x256xbf16, #tpu.memory_space<vmem>>, vector<32xbf16>,
          %parallel_loop3A_358 = arith.addi %mul3A_254, %parallel_loop3A_279 : i32
          %parallel_loop3A_359 = arith.index_cast %parallel_loop3A_358 : i32 to index
          %parallel_loop3A_360 = arith.constant 32 : index
          %parallel_loop3A_361 = tpu.vector_load %arg10[%parallel_loop3A_359, %parallel_loop3A_360] {strides = array<i32>} : memref<120x128xbf16, #tpu.memory_space<vmem>>, vector<32xbf16>,
          %parallel_loop3A_362 = arith.addi %mul3A_254, %parallel_loop3A_279 : i32
          %parallel_loop3A_363 = arith.index_cast %parallel_loop3A_362 : i32 to index
          %parallel_loop3A_364 = arith.constant 160 : index
          %parallel_loop3A_365 = tpu.vector_load %arg9[%parallel_loop3A_363, %parallel_loop3A_364] {strides = array<i32>} : memref<120x256xbf16, #tpu.memory_space<vmem>>, vector<32xbf16>,
          %parallel_loop3A_366 = tpu.unpack_subelements %parallel_loop3A_357, 0 {pack_format = #tpu.pack_format<interleaved>} : vector<32xbf16> -> vector<16xf32>
          %parallel_loop3A_367 = tpu.unpack_subelements %parallel_loop3A_357, 1 {pack_format = #tpu.pack_format<interleaved>} : vector<32xbf16> -> vector<16xf32>
          %parallel_loop3A_368 = tpu.unpack_subelements %parallel_loop3A_361, 0 {pack_format = #tpu.pack_format<interleaved>} : vector<32xbf16> -> vector<16xf32>
          %parallel_loop3A_369 = tpu.unpack_subelements %parallel_loop3A_361, 1 {pack_format = #tpu.pack_format<interleaved>} : vector<32xbf16> -> vector<16xf32>
          %parallel_loop3A_370 = tpu.unpack_subelements %parallel_loop3A_365, 0 {pack_format = #tpu.pack_format<interleaved>} : vector<32xbf16> -> vector<16xf32>
          %parallel_loop3A_371 = tpu.unpack_subelements %parallel_loop3A_365, 1 {pack_format = #tpu.pack_format<interleaved>} : vector<32xbf16> -> vector<16xf32>
          %parallel_loop3A_372 = arith.mulf %parallel_loop3A_366, %parallel_loop3A_368 : vector<16xf32>
          %parallel_loop3A_373 = arith.constant true
          %parallel_loop3A_374 = vector.broadcast %parallel_loop3A_373 : i1 to vector<16xi1>
          %parallel_loop3A_375 = tpu.scan <sum>, %parallel_loop3A_372 masked %parallel_loop3A_374 : vector<16xf32>, vector<16xi1> -> vector<16xf32>
          %parallel_loop3A_376 = arith.constant 15 : i32
          %parallel_loop3A_377 = vector.broadcast %parallel_loop3A_376 : i32 to vector<16xi32>
          %parallel_loop3A_378 = tpu.iota {dimensions = array<i32: 0>} : vector<16xi32>
          %parallel_loop3A_379 = arith.subi %parallel_loop3A_377, %parallel_loop3A_378 : vector<16xi32>
          %parallel_loop3A_380 = tpu.dynamic_gather %parallel_loop3A_375[%parallel_loop3A_379] in [0] : vector<16xf32>, vector<16xi32> -> vector<16xf32>
          %parallel_loop3A_381 = arith.mulf %parallel_loop3A_380, %select_n3A : vector<16xf32>
          %parallel_loop3A_382 = arith.constant true
          %parallel_loop3A_383 = vector.broadcast %parallel_loop3A_382 : i1 to vector<16xi1>
          %parallel_loop3A_384 = tpu.scan <sum>, %parallel_loop3A_381 masked %parallel_loop3A_383 : vector<16xf32>, vector<16xi1> -> vector<16xf32>
          %parallel_loop3A_385 = arith.constant -5.000000e+00 : f32
          %parallel_loop3A_386 = vector.broadcast %parallel_loop3A_385 : f32 to vector<16xf32>
          %parallel_loop3A_387 = arith.maximumf %parallel_loop3A_384, %parallel_loop3A_386 : vector<16xf32>
          %parallel_loop3A_388 = arith.constant 5.000000e+00 : f32
          %parallel_loop3A_389 = vector.broadcast %parallel_loop3A_388 : f32 to vector<16xf32>
          %parallel_loop3A_390 = arith.minimumf %parallel_loop3A_387, %parallel_loop3A_389 : vector<16xf32>
          %parallel_loop3A_391 = math.exp %parallel_loop3A_390 : vector<16xf32>
          %parallel_loop3A_392 = arith.mulf %parallel_loop3A_370, %parallel_loop3A_391 : vector<16xf32>
          %parallel_loop3A_393 = arith.addi %mul3A_256, %parallel_loop3A_279 : i32
          %parallel_loop3A_394 = arith.index_cast %parallel_loop3A_393 : i32 to index
          %parallel_loop3A_395 = arith.constant 32 : index
          %parallel_loop3A_396 = tpu.vector_load %arg11[%parallel_loop3A_394, %parallel_loop3A_395] {strides = array<i32>} : memref<80x144xf32, #tpu.memory_space<vmem>>, vector<16xf32>,
          tpu.vector_store %arg11[%parallel_loop3A_394, %parallel_loop3A_395], %parallel_loop3A_392 {strides = array<i32>} : memref<80x144xf32, #tpu.memory_space<vmem>>, vector<16xf32>,
          %parallel_loop3A_397 = arith.mulf %select_n3A_37, %parallel_loop3A_391 : vector<16xf32>
          %parallel_loop3A_398 = arith.addf %parallel_loop3A_353, %parallel_loop3A_397 : vector<16xf32>
          %parallel_loop3A_399 = arith.mulf %parallel_loop3A_367, %parallel_loop3A_369 : vector<16xf32>
          %parallel_loop3A_400 = arith.constant true
          %parallel_loop3A_401 = vector.broadcast %parallel_loop3A_400 : i1 to vector<16xi1>
          %parallel_loop3A_402 = tpu.scan <sum>, %parallel_loop3A_399 masked %parallel_loop3A_401 : vector<16xf32>, vector<16xi1> -> vector<16xf32>
          %parallel_loop3A_403 = arith.constant 15 : i32
          %parallel_loop3A_404 = vector.broadcast %parallel_loop3A_403 : i32 to vector<16xi32>
          %parallel_loop3A_405 = tpu.iota {dimensions = array<i32: 0>} : vector<16xi32>
          %parallel_loop3A_406 = arith.subi %parallel_loop3A_404, %parallel_loop3A_405 : vector<16xi32>
          %parallel_loop3A_407 = tpu.dynamic_gather %parallel_loop3A_402[%parallel_loop3A_406] in [0] : vector<16xf32>, vector<16xi32> -> vector<16xf32>
          %parallel_loop3A_408 = arith.mulf %parallel_loop3A_407, %select_n3A : vector<16xf32>
          %parallel_loop3A_409 = arith.constant true
          %parallel_loop3A_410 = vector.broadcast %parallel_loop3A_409 : i1 to vector<16xi1>
          %parallel_loop3A_411 = tpu.scan <sum>, %parallel_loop3A_408 masked %parallel_loop3A_410 : vector<16xf32>, vector<16xi1> -> vector<16xf32>
          %parallel_loop3A_412 = arith.constant -5.000000e+00 : f32
          %parallel_loop3A_413 = vector.broadcast %parallel_loop3A_412 : f32 to vector<16xf32>
          %parallel_loop3A_414 = arith.maximumf %parallel_loop3A_411, %parallel_loop3A_413 : vector<16xf32>
          %parallel_loop3A_415 = arith.constant 5.000000e+00 : f32
          %parallel_loop3A_416 = vector.broadcast %parallel_loop3A_415 : f32 to vector<16xf32>
          %parallel_loop3A_417 = arith.minimumf %parallel_loop3A_414, %parallel_loop3A_416 : vector<16xf32>
          %parallel_loop3A_418 = math.exp %parallel_loop3A_417 : vector<16xf32>
          %parallel_loop3A_419 = arith.mulf %parallel_loop3A_371, %parallel_loop3A_418 : vector<16xf32>
          %parallel_loop3A_420 = arith.addi %mul3A_256, %parallel_loop3A_279 : i32
          %parallel_loop3A_421 = arith.index_cast %parallel_loop3A_420 : i32 to index
          %parallel_loop3A_422 = arith.constant 48 : index
          %parallel_loop3A_423 = tpu.vector_load %arg11[%parallel_loop3A_421, %parallel_loop3A_422] {strides = array<i32>} : memref<80x144xf32, #tpu.memory_space<vmem>>, vector<16xf32>,
          tpu.vector_store %arg11[%parallel_loop3A_421, %parallel_loop3A_422], %parallel_loop3A_419 {strides = array<i32>} : memref<80x144xf32, #tpu.memory_space<vmem>>, vector<16xf32>,
          %parallel_loop3A_424 = arith.mulf %select_n3A_45, %parallel_loop3A_418 : vector<16xf32>
          %parallel_loop3A_425 = arith.addf %parallel_loop3A_398, %parallel_loop3A_424 : vector<16xf32>
          %parallel_loop3A_426 = arith.addi %mul3A_254, %parallel_loop3A_279 : i32
          %parallel_loop3A_427 = arith.index_cast %parallel_loop3A_426 : i32 to index
          %parallel_loop3A_428 = arith.constant 64 : index
          %parallel_loop3A_429 = tpu.vector_load %arg9[%parallel_loop3A_427, %parallel_loop3A_428] {strides = array<i32>} : memref<120x256xbf16, #tpu.memory_space<vmem>>, vector<32xbf16>,
          %parallel_loop3A_430 = arith.addi %mul3A_254, %parallel_loop3A_279 : i32
          %parallel_loop3A_431 = arith.index_cast %parallel_loop3A_430 : i32 to index
          %parallel_loop3A_432 = arith.constant 64 : index
          %parallel_loop3A_433 = tpu.vector_load %arg10[%parallel_loop3A_431, %parallel_loop3A_432] {strides = array<i32>} : memref<120x128xbf16, #tpu.memory_space<vmem>>, vector<32xbf16>,
          %parallel_loop3A_434 = arith.addi %mul3A_254, %parallel_loop3A_279 : i32
          %parallel_loop3A_435 = arith.index_cast %parallel_loop3A_434 : i32 to index
          %parallel_loop3A_436 = arith.constant 192 : index
          %parallel_loop3A_437 = tpu.vector_load %arg9[%parallel_loop3A_435, %parallel_loop3A_436] {strides = array<i32>} : memref<120x256xbf16, #tpu.memory_space<vmem>>, vector<32xbf16>,
          %parallel_loop3A_438 = tpu.unpack_subelements %parallel_loop3A_429, 0 {pack_format = #tpu.pack_format<interleaved>} : vector<32xbf16> -> vector<16xf32>
          %parallel_loop3A_439 = tpu.unpack_subelements %parallel_loop3A_429, 1 {pack_format = #tpu.pack_format<interleaved>} : vector<32xbf16> -> vector<16xf32>
          %parallel_loop3A_440 = tpu.unpack_subelements %parallel_loop3A_433, 0 {pack_format = #tpu.pack_format<interleaved>} : vector<32xbf16> -> vector<16xf32>
          %parallel_loop3A_441 = tpu.unpack_subelements %parallel_loop3A_433, 1 {pack_format = #tpu.pack_format<interleaved>} : vector<32xbf16> -> vector<16xf32>
          %parallel_loop3A_442 = tpu.unpack_subelements %parallel_loop3A_437, 0 {pack_format = #tpu.pack_format<interleaved>} : vector<32xbf16> -> vector<16xf32>
          %parallel_loop3A_443 = tpu.unpack_subelements %parallel_loop3A_437, 1 {pack_format = #tpu.pack_format<interleaved>} : vector<32xbf16> -> vector<16xf32>
          %parallel_loop3A_444 = arith.mulf %parallel_loop3A_438, %parallel_loop3A_440 : vector<16xf32>
          %parallel_loop3A_445 = arith.constant true
          %parallel_loop3A_446 = vector.broadcast %parallel_loop3A_445 : i1 to vector<16xi1>
          %parallel_loop3A_447 = tpu.scan <sum>, %parallel_loop3A_444 masked %parallel_loop3A_446 : vector<16xf32>, vector<16xi1> -> vector<16xf32>
          %parallel_loop3A_448 = arith.constant 15 : i32
          %parallel_loop3A_449 = vector.broadcast %parallel_loop3A_448 : i32 to vector<16xi32>
          %parallel_loop3A_450 = tpu.iota {dimensions = array<i32: 0>} : vector<16xi32>
          %parallel_loop3A_451 = arith.subi %parallel_loop3A_449, %parallel_loop3A_450 : vector<16xi32>
          %parallel_loop3A_452 = tpu.dynamic_gather %parallel_loop3A_447[%parallel_loop3A_451] in [0] : vector<16xf32>, vector<16xi32> -> vector<16xf32>
          %parallel_loop3A_453 = arith.mulf %parallel_loop3A_452, %select_n3A : vector<16xf32>
          %parallel_loop3A_454 = arith.constant true
          %parallel_loop3A_455 = vector.broadcast %parallel_loop3A_454 : i1 to vector<16xi1>
          %parallel_loop3A_456 = tpu.scan <sum>, %parallel_loop3A_453 masked %parallel_loop3A_455 : vector<16xf32>, vector<16xi1> -> vector<16xf32>
          %parallel_loop3A_457 = arith.constant -5.000000e+00 : f32
          %parallel_loop3A_458 = vector.broadcast %parallel_loop3A_457 : f32 to vector<16xf32>
          %parallel_loop3A_459 = arith.maximumf %parallel_loop3A_456, %parallel_loop3A_458 : vector<16xf32>
          %parallel_loop3A_460 = arith.constant 5.000000e+00 : f32
          %parallel_loop3A_461 = vector.broadcast %parallel_loop3A_460 : f32 to vector<16xf32>
          %parallel_loop3A_462 = arith.minimumf %parallel_loop3A_459, %parallel_loop3A_461 : vector<16xf32>
          %parallel_loop3A_463 = math.exp %parallel_loop3A_462 : vector<16xf32>
          %parallel_loop3A_464 = arith.mulf %parallel_loop3A_442, %parallel_loop3A_463 : vector<16xf32>
          %parallel_loop3A_465 = arith.addi %mul3A_256, %parallel_loop3A_279 : i32
          %parallel_loop3A_466 = arith.index_cast %parallel_loop3A_465 : i32 to index
          %parallel_loop3A_467 = arith.constant 64 : index
          %parallel_loop3A_468 = tpu.vector_load %arg11[%parallel_loop3A_466, %parallel_loop3A_467] {strides = array<i32>} : memref<80x144xf32, #tpu.memory_space<vmem>>, vector<16xf32>,
          tpu.vector_store %arg11[%parallel_loop3A_466, %parallel_loop3A_467], %parallel_loop3A_464 {strides = array<i32>} : memref<80x144xf32, #tpu.memory_space<vmem>>, vector<16xf32>,
          %parallel_loop3A_469 = arith.mulf %select_n3A_53, %parallel_loop3A_463 : vector<16xf32>
          %parallel_loop3A_470 = arith.addf %parallel_loop3A_425, %parallel_loop3A_469 : vector<16xf32>
          %parallel_loop3A_471 = arith.mulf %parallel_loop3A_439, %parallel_loop3A_441 : vector<16xf32>
          %parallel_loop3A_472 = arith.constant true
          %parallel_loop3A_473 = vector.broadcast %parallel_loop3A_472 : i1 to vector<16xi1>
          %parallel_loop3A_474 = tpu.scan <sum>, %parallel_loop3A_471 masked %parallel_loop3A_473 : vector<16xf32>, vector<16xi1> -> vector<16xf32>
          %parallel_loop3A_475 = arith.constant 15 : i32
          %parallel_loop3A_476 = vector.broadcast %parallel_loop3A_475 : i32 to vector<16xi32>
          %parallel_loop3A_477 = tpu.iota {dimensions = array<i32: 0>} : vector<16xi32>
          %parallel_loop3A_478 = arith.subi %parallel_loop3A_476, %parallel_loop3A_477 : vector<16xi32>
          %parallel_loop3A_479 = tpu.dynamic_gather %parallel_loop3A_474[%parallel_loop3A_478] in [0] : vector<16xf32>, vector<16xi32> -> vector<16xf32>
          %parallel_loop3A_480 = arith.mulf %parallel_loop3A_479, %select_n3A : vector<16xf32>
          %parallel_loop3A_481 = arith.constant true
          %parallel_loop3A_482 = vector.broadcast %parallel_loop3A_481 : i1 to vector<16xi1>
          %parallel_loop3A_483 = tpu.scan <sum>, %parallel_loop3A_480 masked %parallel_loop3A_482 : vector<16xf32>, vector<16xi1> -> vector<16xf32>
          %parallel_loop3A_484 = arith.constant -5.000000e+00 : f32
          %parallel_loop3A_485 = vector.broadcast %parallel_loop3A_484 : f32 to vector<16xf32>
          %parallel_loop3A_486 = arith.maximumf %parallel_loop3A_483, %parallel_loop3A_485 : vector<16xf32>
          %parallel_loop3A_487 = arith.constant 5.000000e+00 : f32
          %parallel_loop3A_488 = vector.broadcast %parallel_loop3A_487 : f32 to vector<16xf32>
          %parallel_loop3A_489 = arith.minimumf %parallel_loop3A_486, %parallel_loop3A_488 : vector<16xf32>
          %parallel_loop3A_490 = math.exp %parallel_loop3A_489 : vector<16xf32>
          %parallel_loop3A_491 = arith.mulf %parallel_loop3A_443, %parallel_loop3A_490 : vector<16xf32>
          %parallel_loop3A_492 = arith.addi %mul3A_256, %parallel_loop3A_279 : i32
          %parallel_loop3A_493 = arith.index_cast %parallel_loop3A_492 : i32 to index
          %parallel_loop3A_494 = arith.constant 80 : index
          %parallel_loop3A_495 = tpu.vector_load %arg11[%parallel_loop3A_493, %parallel_loop3A_494] {strides = array<i32>} : memref<80x144xf32, #tpu.memory_space<vmem>>, vector<16xf32>,
          tpu.vector_store %arg11[%parallel_loop3A_493, %parallel_loop3A_494], %parallel_loop3A_491 {strides = array<i32>} : memref<80x144xf32, #tpu.memory_space<vmem>>, vector<16xf32>,
          %parallel_loop3A_496 = arith.mulf %select_n3A_61, %parallel_loop3A_490 : vector<16xf32>
          %parallel_loop3A_497 = arith.addf %parallel_loop3A_470, %parallel_loop3A_496 : vector<16xf32>
          %parallel_loop3A_498 = arith.addi %mul3A_254, %parallel_loop3A_279 : i32
          %parallel_loop3A_499 = arith.index_cast %parallel_loop3A_498 : i32 to index
          %parallel_loop3A_500 = arith.constant 96 : index
          %parallel_loop3A_501 = tpu.vector_load %arg9[%parallel_loop3A_499, %parallel_loop3A_500] {strides = array<i32>} : memref<120x256xbf16, #tpu.memory_space<vmem>>, vector<32xbf16>,
          %parallel_loop3A_502 = arith.addi %mul3A_254, %parallel_loop3A_279 : i32
          %parallel_loop3A_503 = arith.index_cast %parallel_loop3A_502 : i32 to index
          %parallel_loop3A_504 = arith.constant 96 : index
          %parallel_loop3A_505 = tpu.vector_load %arg10[%parallel_loop3A_503, %parallel_loop3A_504] {strides = array<i32>} : memref<120x128xbf16, #tpu.memory_space<vmem>>, vector<32xbf16>,
          %parallel_loop3A_506 = arith.addi %mul3A_254, %parallel_loop3A_279 : i32
          %parallel_loop3A_507 = arith.index_cast %parallel_loop3A_506 : i32 to index
          %parallel_loop3A_508 = arith.constant 224 : index
          %parallel_loop3A_509 = tpu.vector_load %arg9[%parallel_loop3A_507, %parallel_loop3A_508] {strides = array<i32>} : memref<120x256xbf16, #tpu.memory_space<vmem>>, vector<32xbf16>,
          %parallel_loop3A_510 = tpu.unpack_subelements %parallel_loop3A_501, 0 {pack_format = #tpu.pack_format<interleaved>} : vector<32xbf16> -> vector<16xf32>
          %parallel_loop3A_511 = tpu.unpack_subelements %parallel_loop3A_501, 1 {pack_format = #tpu.pack_format<interleaved>} : vector<32xbf16> -> vector<16xf32>
          %parallel_loop3A_512 = tpu.unpack_subelements %parallel_loop3A_505, 0 {pack_format = #tpu.pack_format<interleaved>} : vector<32xbf16> -> vector<16xf32>
          %parallel_loop3A_513 = tpu.unpack_subelements %parallel_loop3A_505, 1 {pack_format = #tpu.pack_format<interleaved>} : vector<32xbf16> -> vector<16xf32>
          %parallel_loop3A_514 = tpu.unpack_subelements %parallel_loop3A_509, 0 {pack_format = #tpu.pack_format<interleaved>} : vector<32xbf16> -> vector<16xf32>
          %parallel_loop3A_515 = tpu.unpack_subelements %parallel_loop3A_509, 1 {pack_format = #tpu.pack_format<interleaved>} : vector<32xbf16> -> vector<16xf32>
          %parallel_loop3A_516 = arith.mulf %parallel_loop3A_510, %parallel_loop3A_512 : vector<16xf32>
          %parallel_loop3A_517 = arith.constant true
          %parallel_loop3A_518 = vector.broadcast %parallel_loop3A_517 : i1 to vector<16xi1>
          %parallel_loop3A_519 = tpu.scan <sum>, %parallel_loop3A_516 masked %parallel_loop3A_518 : vector<16xf32>, vector<16xi1> -> vector<16xf32>
          %parallel_loop3A_520 = arith.constant 15 : i32
          %parallel_loop3A_521 = vector.broadcast %parallel_loop3A_520 : i32 to vector<16xi32>
          %parallel_loop3A_522 = tpu.iota {dimensions = array<i32: 0>} : vector<16xi32>
          %parallel_loop3A_523 = arith.subi %parallel_loop3A_521, %parallel_loop3A_522 : vector<16xi32>
          %parallel_loop3A_524 = tpu.dynamic_gather %parallel_loop3A_519[%parallel_loop3A_523] in [0] : vector<16xf32>, vector<16xi32> -> vector<16xf32>
          %parallel_loop3A_525 = arith.mulf %parallel_loop3A_524, %select_n3A : vector<16xf32>
          %parallel_loop3A_526 = arith.constant true
          %parallel_loop3A_527 = vector.broadcast %parallel_loop3A_526 : i1 to vector<16xi1>
          %parallel_loop3A_528 = tpu.scan <sum>, %parallel_loop3A_525 masked %parallel_loop3A_527 : vector<16xf32>, vector<16xi1> -> vector<16xf32>
          %parallel_loop3A_529 = arith.constant -5.000000e+00 : f32
          %parallel_loop3A_530 = vector.broadcast %parallel_loop3A_529 : f32 to vector<16xf32>
          %parallel_loop3A_531 = arith.maximumf %parallel_loop3A_528, %parallel_loop3A_530 : vector<16xf32>
          %parallel_loop3A_532 = arith.constant 5.000000e+00 : f32
          %parallel_loop3A_533 = vector.broadcast %parallel_loop3A_532 : f32 to vector<16xf32>
          %parallel_loop3A_534 = arith.minimumf %parallel_loop3A_531, %parallel_loop3A_533 : vector<16xf32>
          %parallel_loop3A_535 = math.exp %parallel_loop3A_534 : vector<16xf32>
          %parallel_loop3A_536 = arith.mulf %parallel_loop3A_514, %parallel_loop3A_535 : vector<16xf32>
          %parallel_loop3A_537 = arith.addi %mul3A_256, %parallel_loop3A_279 : i32
          %parallel_loop3A_538 = arith.index_cast %parallel_loop3A_537 : i32 to index
          %parallel_loop3A_539 = arith.constant 96 : index
          %parallel_loop3A_540 = tpu.vector_load %arg11[%parallel_loop3A_538, %parallel_loop3A_539] {strides = array<i32>} : memref<80x144xf32, #tpu.memory_space<vmem>>, vector<16xf32>,
          tpu.vector_store %arg11[%parallel_loop3A_538, %parallel_loop3A_539], %parallel_loop3A_536 {strides = array<i32>} : memref<80x144xf32, #tpu.memory_space<vmem>>, vector<16xf32>,
          %parallel_loop3A_541 = arith.mulf %select_n3A_69, %parallel_loop3A_535 : vector<16xf32>
          %parallel_loop3A_542 = arith.addf %parallel_loop3A_497, %parallel_loop3A_541 : vector<16xf32>
          %parallel_loop3A_543 = arith.mulf %parallel_loop3A_511, %parallel_loop3A_513 : vector<16xf32>
          %parallel_loop3A_544 = arith.constant true
          %parallel_loop3A_545 = vector.broadcast %parallel_loop3A_544 : i1 to vector<16xi1>
          %parallel_loop3A_546 = tpu.scan <sum>, %parallel_loop3A_543 masked %parallel_loop3A_545 : vector<16xf32>, vector<16xi1> -> vector<16xf32>
          %parallel_loop3A_547 = arith.constant 15 : i32
          %parallel_loop3A_548 = vector.broadcast %parallel_loop3A_547 : i32 to vector<16xi32>
          %parallel_loop3A_549 = tpu.iota {dimensions = array<i32: 0>} : vector<16xi32>
          %parallel_loop3A_550 = arith.subi %parallel_loop3A_548, %parallel_loop3A_549 : vector<16xi32>
          %parallel_loop3A_551 = tpu.dynamic_gather %parallel_loop3A_546[%parallel_loop3A_550] in [0] : vector<16xf32>, vector<16xi32> -> vector<16xf32>
          %parallel_loop3A_552 = arith.mulf %parallel_loop3A_551, %select_n3A : vector<16xf32>
          %parallel_loop3A_553 = arith.constant true
          %parallel_loop3A_554 = vector.broadcast %parallel_loop3A_553 : i1 to vector<16xi1>
          %parallel_loop3A_555 = tpu.scan <sum>, %parallel_loop3A_552 masked %parallel_loop3A_554 : vector<16xf32>, vector<16xi1> -> vector<16xf32>
          %parallel_loop3A_556 = arith.constant -5.000000e+00 : f32
          %parallel_loop3A_557 = vector.broadcast %parallel_loop3A_556 : f32 to vector<16xf32>
          %parallel_loop3A_558 = arith.maximumf %parallel_loop3A_555, %parallel_loop3A_557 : vector<16xf32>
          %parallel_loop3A_559 = arith.constant 5.000000e+00 : f32
          %parallel_loop3A_560 = vector.broadcast %parallel_loop3A_559 : f32 to vector<16xf32>
          %parallel_loop3A_561 = arith.minimumf %parallel_loop3A_558, %parallel_loop3A_560 : vector<16xf32>
          %parallel_loop3A_562 = math.exp %parallel_loop3A_561 : vector<16xf32>
          %parallel_loop3A_563 = arith.mulf %parallel_loop3A_515, %parallel_loop3A_562 : vector<16xf32>
          %parallel_loop3A_564 = arith.addi %mul3A_256, %parallel_loop3A_279 : i32
          %parallel_loop3A_565 = arith.index_cast %parallel_loop3A_564 : i32 to index
          %parallel_loop3A_566 = arith.constant 112 : index
          %parallel_loop3A_567 = tpu.vector_load %arg11[%parallel_loop3A_565, %parallel_loop3A_566] {strides = array<i32>} : memref<80x144xf32, #tpu.memory_space<vmem>>, vector<16xf32>,
          tpu.vector_store %arg11[%parallel_loop3A_565, %parallel_loop3A_566], %parallel_loop3A_563 {strides = array<i32>} : memref<80x144xf32, #tpu.memory_space<vmem>>, vector<16xf32>,
          %parallel_loop3A_568 = arith.mulf %select_n3A_77, %parallel_loop3A_562 : vector<16xf32>
          %parallel_loop3A_569 = arith.addf %parallel_loop3A_542, %parallel_loop3A_568 : vector<16xf32>
          %parallel_loop3A_570 = arith.addi %mul3A_256, %parallel_loop3A_279 : i32
          %parallel_loop3A_571 = arith.index_cast %parallel_loop3A_570 : i32 to index
          %parallel_loop3A_572 = arith.constant 128 : index
          %parallel_loop3A_573 = tpu.vector_load %arg11[%parallel_loop3A_571, %parallel_loop3A_572] {strides = array<i32>} : memref<80x144xf32, #tpu.memory_space<vmem>>, vector<16xf32>,
          tpu.vector_store %arg11[%parallel_loop3A_571, %parallel_loop3A_572], %parallel_loop3A_569 {strides = array<i32>} : memref<80x144xf32, #tpu.memory_space<vmem>>, vector<16xf32>,
        } {sc.loop_unroll_factor = 4 : i64, sc.parallel_access}
        %dma_start3A_259 = arith.constant 0 : i32
        %dma_start3A_260 = tpu.memref_slice %arg11[%mul3A_256, %dma_start3A_259] : memref<80x144xf32, #tpu.memory_space<vmem>> -> memref<40x144xf32, #tpu.memory_space<vmem>>
        %dma_start3A_261 = arith.constant 0 : i32
        %dma_start3A_262 = tpu.memref_slice %arg8[%scan3A_196, %dma_start3A_261] : memref<50x40xi32, #tpu.memory_space<vmem>> -> memref<1x40xi32, #tpu.memory_space<vmem>>
        %dma_start3A_263 = tpu.memref_squeeze %dma_start3A_262 : memref<1x40xi32, #tpu.memory_space<vmem>> -> memref<40xi32, #tpu.memory_space<vmem>>
        %dma_start3A_264 = arith.constant 0 : i32
        %dma_start3A_265 = arith.constant 0 : i32
        %dma_start3A_266 = tpu.memref_slice %arg15[%dma_start3A_264, %dma_start3A_265] : memref<10000x144xf32, #tpu.memory_space<vmem_shared>> -> memref<10000x144xf32, #tpu.memory_space<vmem_shared>>
        tpu.enqueue_indirect_dma source(%dma_start3A_260 : memref<40x144xf32, #tpu.memory_space<vmem>>) target(%dma_start3A_266 : memref<10000x144xf32, #tpu.memory_space<vmem_shared>>) offsets(%dma_start3A_263 : memref<40xi32, #tpu.memory_space<vmem>>) semaphore(%arg14 : memref<!tpu.dma_semaphore, #tpu.memory_space<semaphore_mem>>) {add = true}
        %eq3A_267 = arith.constant 2 : i32
        %eq3A_268 = arith.cmpi eq, %scan3A_197, %eq3A_267 : i32
        %add3A_269 = arith.constant 1 : i32
        %add3A_270 = arith.addi %scan3A_197, %add3A_269 : i32
        %jit3A_271 = arith.constant 0 : i32
        %select_n3A_272 = arith.select %eq3A_268, %jit3A_271, %add3A_270 : i32
        %eq3A_273 = arith.constant 1 : i32
        %eq3A_274 = arith.cmpi eq, %scan3A_198, %eq3A_273 : i32
        %add3A_275 = arith.constant 1 : i32
        %add3A_276 = arith.addi %scan3A_198, %add3A_275 : i32
        %jit3A_277 = arith.constant 0 : i32
        %select_n3A_278 = arith.select %eq3A_274, %jit3A_277, %add3A_276 : i32
        scf.yield %select_n3A_272, %select_n3A_278 : i32, i32
      }
      %scan3A_136 = arith.constant 50 : i32
      %dma_wait3A = arith.constant 0 : i32
      %dma_wait3A_137 = arith.constant 0 : i32
      %dma_wait3A_138 = arith.constant 0 : i32
      %dma_wait3A_139 = tpu.memref_slice %arg9[%dma_wait3A_137, %dma_wait3A_138] : memref<120x256xbf16, #tpu.memory_space<vmem>> -> memref<40x256xbf16, #tpu.memory_space<vmem>>
      %dma_wait3A_140 = arith.constant 0 : i32
      %dma_wait3A_141 = tpu.memref_slice %arg7[%dma_wait3A, %dma_wait3A_140] : memref<50x40xi32, #tpu.memory_space<vmem>> -> memref<1x40xi32, #tpu.memory_space<vmem>>
      %dma_wait3A_142 = tpu.memref_squeeze %dma_wait3A_141 : memref<1x40xi32, #tpu.memory_space<vmem>> -> memref<40xi32, #tpu.memory_space<vmem>>
      %dma_wait3A_143 = arith.constant 0 : i32
      %dma_wait3A_144 = arith.constant 0 : i32
      %dma_wait3A_145 = tpu.memref_slice %arg2[%dma_wait3A_143, %dma_wait3A_144] : memref<10000x256xbf16, #tpu.memory_space<hbm>> -> memref<10000x256xbf16, #tpu.memory_space<hbm>>
      tpu.wait_indirect_dma semaphore(%arg12 : memref<!tpu.dma_semaphore, #tpu.memory_space<semaphore_mem>>) src(%dma_wait3A_145 : memref<10000x256xbf16, #tpu.memory_space<hbm>>) dst(%dma_wait3A_139 : memref<40x256xbf16, #tpu.memory_space<vmem>>)
      %dma_wait3A_146 = arith.constant 0 : i32
      %dma_wait3A_147 = arith.constant 0 : i32
      %dma_wait3A_148 = arith.constant 0 : i32
      %dma_wait3A_149 = tpu.memref_slice %arg10[%dma_wait3A_147, %dma_wait3A_148] : memref<120x128xbf16, #tpu.memory_space<vmem>> -> memref<40x128xbf16, #tpu.memory_space<vmem>>
      %dma_wait3A_150 = arith.constant 0 : i32
      %dma_wait3A_151 = tpu.memref_slice %arg8[%dma_wait3A_146, %dma_wait3A_150] : memref<50x40xi32, #tpu.memory_space<vmem>> -> memref<1x40xi32, #tpu.memory_space<vmem>>
      %dma_wait3A_152 = tpu.memref_squeeze %dma_wait3A_151 : memref<1x40xi32, #tpu.memory_space<vmem>> -> memref<40xi32, #tpu.memory_space<vmem>>
      %dma_wait3A_153 = arith.constant 0 : i32
      %dma_wait3A_154 = arith.constant 0 : i32
      %dma_wait3A_155 = tpu.memref_slice %arg3[%dma_wait3A_153, %dma_wait3A_154] : memref<10000x128xbf16, #tpu.memory_space<hbm>> -> memref<10000x128xbf16, #tpu.memory_space<hbm>>
      tpu.wait_indirect_dma semaphore(%arg13 : memref<!tpu.dma_semaphore, #tpu.memory_space<semaphore_mem>>) src(%dma_wait3A_155 : memref<10000x128xbf16, #tpu.memory_space<hbm>>) dst(%dma_wait3A_149 : memref<40x128xbf16, #tpu.memory_space<vmem>>)
      %dma_wait3A_156 = arith.constant 0 : i32
      %dma_wait3A_157 = arith.constant 0 : i32
      %dma_wait3A_158 = arith.constant 0 : i32
      %dma_wait3A_159 = tpu.memref_slice %arg11[%dma_wait3A_157, %dma_wait3A_158] : memref<80x144xf32, #tpu.memory_space<vmem>> -> memref<40x144xf32, #tpu.memory_space<vmem>>
      %dma_wait3A_160 = arith.constant 0 : i32
      %dma_wait3A_161 = tpu.memref_slice %arg8[%dma_wait3A_156, %dma_wait3A_160] : memref<50x40xi32, #tpu.memory_space<vmem>> -> memref<1x40xi32, #tpu.memory_space<vmem>>
      %dma_wait3A_162 = tpu.memref_squeeze %dma_wait3A_161 : memref<1x40xi32, #tpu.memory_space<vmem>> -> memref<40xi32, #tpu.memory_space<vmem>>
      %dma_wait3A_163 = arith.constant 0 : i32
      %dma_wait3A_164 = arith.constant 0 : i32
      %dma_wait3A_165 = tpu.memref_slice %arg15[%dma_wait3A_163, %dma_wait3A_164] : memref<10000x144xf32, #tpu.memory_space<vmem_shared>> -> memref<10000x144xf32, #tpu.memory_space<vmem_shared>>
      tpu.wait_indirect_dma semaphore(%arg14 : memref<!tpu.dma_semaphore, #tpu.memory_space<semaphore_mem>>) src(%dma_wait3A_159 : memref<40x144xf32, #tpu.memory_space<vmem>>) dst(%dma_wait3A_165 : memref<10000x144xf32, #tpu.memory_space<vmem_shared>>)
      %dma_wait3A_166 = arith.constant 0 : i32
      %dma_wait3A_167 = arith.constant 0 : i32
      %dma_wait3A_168 = arith.constant 0 : i32
      %dma_wait3A_169 = tpu.memref_slice %arg9[%dma_wait3A_167, %dma_wait3A_168] : memref<120x256xbf16, #tpu.memory_space<vmem>> -> memref<40x256xbf16, #tpu.memory_space<vmem>>
      %dma_wait3A_170 = arith.constant 0 : i32
      %dma_wait3A_171 = tpu.memref_slice %arg7[%dma_wait3A_166, %dma_wait3A_170] : memref<50x40xi32, #tpu.memory_space<vmem>> -> memref<1x40xi32, #tpu.memory_space<vmem>>
      %dma_wait3A_172 = tpu.memref_squeeze %dma_wait3A_171 : memref<1x40xi32, #tpu.memory_space<vmem>> -> memref<40xi32, #tpu.memory_space<vmem>>
      %dma_wait3A_173 = arith.constant 0 : i32
      %dma_wait3A_174 = arith.constant 0 : i32
      %dma_wait3A_175 = tpu.memref_slice %arg2[%dma_wait3A_173, %dma_wait3A_174] : memref<10000x256xbf16, #tpu.memory_space<hbm>> -> memref<10000x256xbf16, #tpu.memory_space<hbm>>
      tpu.wait_indirect_dma semaphore(%arg12 : memref<!tpu.dma_semaphore, #tpu.memory_space<semaphore_mem>>) src(%dma_wait3A_175 : memref<10000x256xbf16, #tpu.memory_space<hbm>>) dst(%dma_wait3A_169 : memref<40x256xbf16, #tpu.memory_space<vmem>>)
      %dma_wait3A_176 = arith.constant 0 : i32
      %dma_wait3A_177 = arith.constant 0 : i32
      %dma_wait3A_178 = arith.constant 0 : i32
      %dma_wait3A_179 = tpu.memref_slice %arg10[%dma_wait3A_177, %dma_wait3A_178] : memref<120x128xbf16, #tpu.memory_space<vmem>> -> memref<40x128xbf16, #tpu.memory_space<vmem>>
      %dma_wait3A_180 = arith.constant 0 : i32
      %dma_wait3A_181 = tpu.memref_slice %arg8[%dma_wait3A_176, %dma_wait3A_180] : memref<50x40xi32, #tpu.memory_space<vmem>> -> memref<1x40xi32, #tpu.memory_space<vmem>>
      %dma_wait3A_182 = tpu.memref_squeeze %dma_wait3A_181 : memref<1x40xi32, #tpu.memory_space<vmem>> -> memref<40xi32, #tpu.memory_space<vmem>>
      %dma_wait3A_183 = arith.constant 0 : i32
      %dma_wait3A_184 = arith.constant 0 : i32
      %dma_wait3A_185 = tpu.memref_slice %arg3[%dma_wait3A_183, %dma_wait3A_184] : memref<10000x128xbf16, #tpu.memory_space<hbm>> -> memref<10000x128xbf16, #tpu.memory_space<hbm>>
      tpu.wait_indirect_dma semaphore(%arg13 : memref<!tpu.dma_semaphore, #tpu.memory_space<semaphore_mem>>) src(%dma_wait3A_185 : memref<10000x128xbf16, #tpu.memory_space<hbm>>) dst(%dma_wait3A_179 : memref<40x128xbf16, #tpu.memory_space<vmem>>)
      %dma_wait3A_186 = arith.constant 0 : i32
      %dma_wait3A_187 = arith.constant 0 : i32
      %dma_wait3A_188 = arith.constant 0 : i32
      %dma_wait3A_189 = tpu.memref_slice %arg11[%dma_wait3A_187, %dma_wait3A_188] : memref<80x144xf32, #tpu.memory_space<vmem>> -> memref<40x144xf32, #tpu.memory_space<vmem>>
      %dma_wait3A_190 = arith.constant 0 : i32
      %dma_wait3A_191 = tpu.memref_slice %arg8[%dma_wait3A_186, %dma_wait3A_190] : memref<50x40xi32, #tpu.memory_space<vmem>> -> memref<1x40xi32, #tpu.memory_space<vmem>>
      %dma_wait3A_192 = tpu.memref_squeeze %dma_wait3A_191 : memref<1x40xi32, #tpu.memory_space<vmem>> -> memref<40xi32, #tpu.memory_space<vmem>>
      %dma_wait3A_193 = arith.constant 0 : i32
      %dma_wait3A_194 = arith.constant 0 : i32
      %dma_wait3A_195 = tpu.memref_slice %arg15[%dma_wait3A_193, %dma_wait3A_194] : memref<10000x144xf32, #tpu.memory_space<vmem_shared>> -> memref<10000x144xf32, #tpu.memory_space<vmem_shared>>
      tpu.wait_indirect_dma semaphore(%arg14 : memref<!tpu.dma_semaphore, #tpu.memory_space<semaphore_mem>>) src(%dma_wait3A_189 : memref<40x144xf32, #tpu.memory_space<vmem>>) dst(%dma_wait3A_195 : memref<10000x144xf32, #tpu.memory_space<vmem_shared>>)
    }
    %scan3A_83 = arith.constant 5 : i32
    %barrier3A_84 = arith.constant 0 : index
    tpu.barrier barrier_id(%barrier3A_84)
    "tpu.region"() ({
      %run_scoped3A = tpu.sem_alloc : memref<!tpu.dma_semaphore, #tpu.memory_space<semaphore_mem>>
      %dma_start3A = arith.constant 0 : i32
      %dma_start3A_85 = tpu.memref_slice %arg6[%arg0, %mul3A_8, %dma_start3A] : memref<2x10000x144xf32, #tpu.memory_space<hbm>> -> memref<1x625x144xf32, #tpu.memory_space<hbm>>
      %dma_start3A_86 = tpu.memref_squeeze %dma_start3A_85 : memref<1x625x144xf32, #tpu.memory_space<hbm>> -> memref<625x144xf32, #tpu.memory_space<hbm>>
      %dma_start3A_87 = arith.constant 0 : i32
      %dma_start3A_88 = tpu.memref_slice %arg15[%mul3A_8, %dma_start3A_87] : memref<10000x144xf32, #tpu.memory_space<vmem_shared>> -> memref<625x144xf32, #tpu.memory_space<vmem_shared>>
      tpu.enqueue_dma source(%dma_start3A_88 : memref<625x144xf32, #tpu.memory_space<vmem_shared>>) target(%dma_start3A_86 : memref<625x144xf32, #tpu.memory_space<hbm>>) target_semaphore(%run_scoped3A : memref<!tpu.dma_semaphore, #tpu.memory_space<semaphore_mem>>)
      %dma_wait3A = arith.constant 0 : i32
      %dma_wait3A_89 = tpu.memref_slice %arg6[%arg0, %mul3A_8, %dma_wait3A] : memref<2x10000x144xf32, #tpu.memory_space<hbm>> -> memref<1x625x144xf32, #tpu.memory_space<hbm>>
      %dma_wait3A_90 = tpu.memref_squeeze %dma_wait3A_89 : memref<1x625x144xf32, #tpu.memory_space<hbm>> -> memref<625x144xf32, #tpu.memory_space<hbm>>
      %dma_wait3A_91 = arith.constant 0 : i32
      %dma_wait3A_92 = tpu.memref_slice %arg15[%mul3A_8, %dma_wait3A_91] : memref<10000x144xf32, #tpu.memory_space<vmem_shared>> -> memref<625x144xf32, #tpu.memory_space<vmem_shared>>
      tpu.wait_dma2 semaphore(%run_scoped3A : memref<!tpu.dma_semaphore, #tpu.memory_space<semaphore_mem>>) src(%dma_wait3A_92 : memref<625x144xf32, #tpu.memory_space<vmem_shared>>) dst(%dma_wait3A_90 : memref<625x144xf32, #tpu.memory_space<hbm>>)
      tpu.yield
    }) : () -> ()
    return
  }
}

module attributes {stable_mosaic.version = 14 : i64} {
  func.func @_proj_body(%arg0: memref<10000x128xf32, #tpu.memory_space<vmem>>, %arg1: memref<128x128xf32, #tpu.memory_space<vmem>>, %arg2: memref<1x128xf32, #tpu.memory_space<vmem>>, %arg3: memref<128x128xf32, #tpu.memory_space<vmem>>, %arg4: memref<1x128xf32, #tpu.memory_space<vmem>>, %arg5: memref<128x128xf32, #tpu.memory_space<vmem>>, %arg6: memref<1x128xf32, #tpu.memory_space<vmem>>, %arg7: memref<10000x128xf32, #tpu.memory_space<vmem>>, %arg8: memref<10000x256xf32, #tpu.memory_space<vmem>>) attributes {dimension_semantics = [], scalar_prefetch = 0 : i64, scratch_operands = 0 : i64, tpu.core_type = #tpu.core_type<tc>} {
    %get3A = arith.constant 0 : index
    %get3A_0 = arith.constant 0 : index
    %get3A_1 = vector.load %arg0[%get3A, %get3A_0] : memref<10000x128xf32, #tpu.memory_space<vmem>>, vector<10000x128xf32>
    %get3A_2 = arith.constant 0 : index
    %get3A_3 = arith.constant 0 : index
    %get3A_4 = vector.load %arg1[%get3A_2, %get3A_3] : memref<128x128xf32, #tpu.memory_space<vmem>>, vector<128x128xf32>
    %dot_general3A = arith.constant dense<0.000000e+00> : vector<10000x128xf32>
    %dot_general3A_5 = tpu.matmul %get3A_1, %get3A_4, %dot_general3A {dimension_numbers = #tpu.dot_dimension_numbers<[1], [0], [0], [1], [0, 0, 1, 1], [], []>, transpose_lhs_hint = false} : vector<10000x128xf32>, vector<128x128xf32>, vector<10000x128xf32> -> vector<10000x128xf32>
    %get3A_6 = arith.constant 0 : index
    %get3A_7 = arith.constant 0 : index
    %get3A_8 = vector.load %arg2[%get3A_6, %get3A_7] : memref<1x128xf32, #tpu.memory_space<vmem>>, vector<1x128xf32>
    %add3A = vector.broadcast %get3A_8 : vector<1x128xf32> to vector<10000x128xf32>
    %add3A_9 = arith.addf %dot_general3A_5, %add3A : vector<10000x128xf32>
    %swap3A = arith.constant 0 : index
    %swap3A_10 = arith.constant 0 : index
    %swap3A_11 = vector.load %arg7[%swap3A, %swap3A_10] : memref<10000x128xf32, #tpu.memory_space<vmem>>, vector<10000x128xf32>
    tpu.vector_store %arg7[%swap3A, %swap3A_10], %add3A_9 {strides = array<i32>} : memref<10000x128xf32, #tpu.memory_space<vmem>>, vector<10000x128xf32>,
    %get3A_12 = arith.constant 0 : index
    %get3A_13 = arith.constant 0 : index
    %get3A_14 = vector.load %arg3[%get3A_12, %get3A_13] : memref<128x128xf32, #tpu.memory_space<vmem>>, vector<128x128xf32>
    %dot_general3A_15 = arith.constant dense<0.000000e+00> : vector<10000x128xf32>
    %dot_general3A_16 = tpu.matmul %get3A_1, %get3A_14, %dot_general3A_15 {dimension_numbers = #tpu.dot_dimension_numbers<[1], [0], [0], [1], [0, 0, 1, 1], [], []>, transpose_lhs_hint = false} : vector<10000x128xf32>, vector<128x128xf32>, vector<10000x128xf32> -> vector<10000x128xf32>
    %get3A_17 = arith.constant 0 : index
    %get3A_18 = arith.constant 0 : index
    %get3A_19 = vector.load %arg4[%get3A_17, %get3A_18] : memref<1x128xf32, #tpu.memory_space<vmem>>, vector<1x128xf32>
    %add3A_20 = vector.broadcast %get3A_19 : vector<1x128xf32> to vector<10000x128xf32>
    %add3A_21 = arith.addf %dot_general3A_16, %add3A_20 : vector<10000x128xf32>
    %mul3A = arith.constant 2.500000e-01 : f32
    %mul3A_22 = vector.broadcast %mul3A : f32 to vector<10000x128xf32>
    %mul3A_23 = arith.mulf %add3A_21, %mul3A_22 : vector<10000x128xf32>
    %get3A_24 = arith.constant 0 : index
    %get3A_25 = arith.constant 0 : index
    %get3A_26 = vector.load %arg5[%get3A_24, %get3A_25] : memref<128x128xf32, #tpu.memory_space<vmem>>, vector<128x128xf32>
    %dot_general3A_27 = arith.constant dense<0.000000e+00> : vector<10000x128xf32>
    %dot_general3A_28 = tpu.matmul %get3A_1, %get3A_26, %dot_general3A_27 {dimension_numbers = #tpu.dot_dimension_numbers<[1], [0], [0], [1], [0, 0, 1, 1], [], []>, transpose_lhs_hint = false} : vector<10000x128xf32>, vector<128x128xf32>, vector<10000x128xf32> -> vector<10000x128xf32>
    %get3A_29 = arith.constant 0 : index
    %get3A_30 = arith.constant 0 : index
    %get3A_31 = vector.load %arg6[%get3A_29, %get3A_30] : memref<1x128xf32, #tpu.memory_space<vmem>>, vector<1x128xf32>
    %add3A_32 = vector.broadcast %get3A_31 : vector<1x128xf32> to vector<10000x128xf32>
    %add3A_33 = arith.addf %dot_general3A_28, %add3A_32 : vector<10000x128xf32>
    %swap3A_34 = arith.constant 0 : index
    %swap3A_35 = arith.constant 0 : index
    %swap3A_36 = vector.load %arg8[%swap3A_34, %swap3A_35] : memref<10000x256xf32, #tpu.memory_space<vmem>>, vector<10000x128xf32>
    tpu.vector_store %arg8[%swap3A_34, %swap3A_35], %mul3A_23 {strides = array<i32>} : memref<10000x256xf32, #tpu.memory_space<vmem>>, vector<10000x128xf32>,
    %swap3A_37 = arith.constant 0 : index
    %swap3A_38 = arith.constant 128 : index
    %swap3A_39 = vector.load %arg8[%swap3A_37, %swap3A_38] : memref<10000x256xf32, #tpu.memory_space<vmem>>, vector<10000x128xf32>
    tpu.vector_store %arg8[%swap3A_37, %swap3A_38], %add3A_33 {strides = array<i32>} : memref<10000x256xf32, #tpu.memory_space<vmem>>, vector<10000x128xf32>,
    return
  }
}

module attributes {stable_mosaic.version = 14 : i64} {
  func.func @_epi_body(%arg0: memref<2x10000x144xf32, #tpu.memory_space<vmem>>, %arg1: memref<144x128xf32, #tpu.memory_space<vmem>>, %arg2: memref<10000x128xf32, #tpu.memory_space<vmem>>) attributes {dimension_semantics = [], scalar_prefetch = 0 : i64, scratch_operands = 0 : i64, tpu.core_type = #tpu.core_type<tc>} {
    %get3A = arith.constant 0 : index
    %get3A_0 = arith.constant 0 : index
    %get3A_1 = arith.constant 0 : index
    %get3A_2 = vector.load %arg0[%get3A, %get3A_0, %get3A_1] : memref<2x10000x144xf32, #tpu.memory_space<vmem>>, vector<1x10000x144xf32>
    %get3A_3 = vector.shape_cast %get3A_2 : vector<1x10000x144xf32> to vector<10000x144xf32>
    %get3A_4 = arith.constant 1 : index
    %get3A_5 = arith.constant 0 : index
    %get3A_6 = arith.constant 0 : index
    %get3A_7 = vector.load %arg0[%get3A_4, %get3A_5, %get3A_6] : memref<2x10000x144xf32, #tpu.memory_space<vmem>>, vector<1x10000x144xf32>
    %get3A_8 = vector.shape_cast %get3A_7 : vector<1x10000x144xf32> to vector<10000x144xf32>
    %add3A = arith.addf %get3A_3, %get3A_8 : vector<10000x144xf32>
    %get3A_9 = arith.constant 0 : index
    %get3A_10 = arith.constant 0 : index
    %get3A_11 = vector.load %arg1[%get3A_9, %get3A_10] : memref<144x128xf32, #tpu.memory_space<vmem>>, vector<144x128xf32>
    %dot_general3A = arith.constant dense<0.000000e+00> : vector<10000x128xf32>
    %dot_general3A_12 = tpu.matmul %add3A, %get3A_11, %dot_general3A {dimension_numbers = #tpu.dot_dimension_numbers<[1], [0], [0], [1], [0, 0, 1, 1], [], []>, transpose_lhs_hint = false} : vector<10000x144xf32>, vector<144x128xf32>, vector<10000x128xf32> -> vector<10000x128xf32>
    %slice3A = vector.extract_strided_slice %add3A {offsets = [0, 0], sizes = [10000, 128], strides = [1, 1]} : vector<10000x144xf32> to vector<10000x128xf32>
    %div3A = arith.divf %slice3A, %dot_general3A_12 : vector<10000x128xf32>
    %swap3A = arith.constant 0 : index
    %swap3A_13 = arith.constant 0 : index
    %swap3A_14 = vector.load %arg2[%swap3A, %swap3A_13] : memref<10000x128xf32, #tpu.memory_space<vmem>>, vector<10000x128xf32>
    tpu.vector_store %arg2[%swap3A, %swap3A_13], %div3A {strides = array<i32>} : memref<10000x128xf32, #tpu.memory_space<vmem>>, vector<10000x128xf32>,
    return
  }
}

</mosaic_0001>

<sc_bundles>
// kernel: kernel.5.cloned.1.call-start
scs
__scs_entry_jumppad:
0x0: {  	(pc) =	sbr.rel $0x88, $3  }
0x1: {  	(tag) =	ssettag $0x0;
	lr =	simm.s32 $0x1  }
0x2: {  	[smem:$0x3F99] =	sst lr;
	_ =	strace $0xD0000000  }
0x3: {  	_ = 	snop  }
0x4: {  	_ = 	snop  }
0x5: {  	_ = 	snop  }
0x6: {  	_ = 	snop  }
0x7: {  	_ = 	snop  }
__scs_overlays_trampoline_lowered:
0x8: {  	[smem:$0x3FA8] =	sst s0  }
0x9: {  	[smem:$0x3FA9] =	sst s1  }
0xa: {  	[smem:$0x3FAA] =	sst s2  }
0xb: {  	[smem:$0x3FAB] =	sst s3  }
0xc: {  	[smem:$0x3FAC] =	sst s4  }
0xd: {  	[smem:$0x3FAD] =	sst s5  }
0xe: {  	[smem:$0x3FAE] =	sst s6  }
0xf: {  	[smem:$0x3FAF] =	sst s7  }
0x10: {  	[smem:$0x3FB0] =	sst s8  }
0x11: {  	[smem:$0x3FB1] =	sst s9;
	s0 =	simm.s32 @!p0 $0x0  }
0x12: {  	s1 =	sld [smem:$0x3F97];
	s0 =	simm.s32 @p0 $0x1  }
0x13: {  	[smem:$0x3FB2] =	sst s0;
	s0 =	simm.s32 @!p1 $0x0  }
0x14: {  	s2 =	sld [smem:$0x3F96];
	s0 =	simm.s32 @p1 $0x1  }
0x15: {  	[smem:$0x3FB3] =	sst s0;
	s0 =	simm.s32 @!p2 $0x0  }
0x16: {  	s3 =	sld [smem:$0x3FDB];
	s0 =	simm.s32 @p2 $0x1  }
0x17: {  	s4 =	simm.s32 $0x1BF5;
	[smem:$0x3FB5] =	sst s0  }
0x18: {  	s0 =	sld [smem:$0x3F98];
	_ =	swait.ge [sflag:s4], $0x0  }
0x19: {  	s7 =	sld [smem:$0x3F99]  }
0x1a: {  	s8 =	sadd.s32 $0xFFFFE003, lr  }
0x1b: {  	s9 =	sadd.s32 $0xFFFFFEF7, lr;
	s5 =	simm.s32 $0xFFFFFFFF;
	p2 =	slt.u32 s8, $0xFFFFF086  }
0x1c: {  	p1 =	slt.u32 s9, $0xF7A;
	s5 =	simm.s32 @!p2 $0x0  }
0x1d: {  	s5 =	simm.s32 @p1 $0x1;
	p0 =	seq.s32 s7, s2  }
0x1e: {  	s7 =	smul.u32 @!p0 $0xF7A, s2;
	p2 =	seq.s32 @!p0 s5, $0x0  }
0x1f: {  	s9 =	smul.u32 $0xF7A, s1;
	s8 =	simm.s32 @!p0 $0x1BF5;
	p2 =	por !p2, p0  }
0x20: {  	[sflag:s8] =	ssyncset.s32 @!p0 $0xFFFFF086;
	s6 =	sadd.s32 @!p0 s3, s7;
	s7 =	simm.s32 @!p0 $0x108  }
0x21: {  	s3 =	sadd.s32 s3, s9;
	s6 =	sadd.s32 @!p0 $0x88, s6;
	s7 =	simm.s32 @p2 $0x1082  }
0x22: {  	[simem:s7], [sflag:s8] =	dma.local @!p0 [hbm:s6], $0xF7A  }
0x23: {  	s9 =	sor.u32 $0xD0000000, s2;
	s6 =	simm.s32 $0x108;
	_ =	swait.ge @!p0 [sflag:s8], $0x0  }
0x24: {  	s3 =	sadd.s32 $0x88, s3;
	s6 =	simm.s32 @!p1 $0x1082;
	[sflag:s4] =	ssyncset.s32 $0xFFFFF086  }
0x25: {  	[simem:s6], [sflag:s4] =	dma.local [hbm:s3], $0xF7A  }
0x26: {  	[smem:$0x3F99] =	sst s1;
	(tag) =	ssettag s2;
	_ =	strace s9  }
0x27: {  	s1 =	sld [smem:$0x3FA9]  }
0x28: {  	s2 =	sld [smem:$0x3FAA]  }
0x29: {  	s4 =	sld [smem:$0x3FAC]  }
0x2a: {  	p0 =	seq.s32 s5, $0x0;
	s5 =	sld [smem:$0x3FAD]  }
0x2b: {  	s6 =	sld [smem:$0x3FAE]  }
0x2c: {  	s7 =	sld [smem:$0x3FAF]  }
0x2d: {  	s3 =	simm.s32 $0x108;
	s8 =	sld [smem:$0x3FB0]  }
0x2e: {  	s3 =	simm.s32 @!p0 $0x1082;
	s9 =	sld [smem:$0x3FB1]  }
0x2f: {  	lr =	sadd.s32 s0, s3;
	s0 =	sld [smem:$0x3FA8]  }
0x30: {  	s3 =	sld [smem:$0x3FAB]  }
0x31: {  	[smem:$0x3FB4] =	sst s10  }
0x32: {  	s10 =	sld [smem:$0x3FB2];
	_ =	sdelay $0x3  }
0x33: {  	p0 =	seq.s32 s10, $0x1;
	s10 =	sld [smem:$0x3FB4];
	_ =	sdelay $0x3  }
0x34: {  	[smem:$0x3FB4] =	sst s10  }
0x35: {  	s10 =	sld [smem:$0x3FB3];
	_ =	sdelay $0x3  }
0x36: {  	p1 =	seq.s32 s10, $0x1;
	s10 =	sld [smem:$0x3FB4];
	_ =	sdelay $0x3  }
0x37: {  	[smem:$0x3FB4] =	sst s10  }
0x38: {  	s10 =	sld [smem:$0x3FB5]  }
0x39: {  	_ = 	snop;
	(pc) =	sbr.ind lr, $3  }
0x3a: {  	_ = 	snop  }
0x3b: {  	_ = 	snop  }
0x3c: {  	p2 =	seq.s32 s10, $0x1;
	s10 =	sld [smem:$0x3FB4]  }
0x3d: {  	_ =	shalt  }
0x3e: {  	_ =	shalt  }
0x3f: {  	_ =	shalt  }
0x40: {  	_ =	shalt  }
0x41: {  	_ =	shalt  }
0x42: {  	_ =	shalt  }
0x43: {  	_ =	shalt  }
0x44: {  	_ =	shalt  }
0x45: {  	_ =	shalt  }
0x46: {  	_ =	shalt  }
0x47: {  	_ =	shalt  }
0x48: {  	_ =	shalt  }
0x49: {  	_ =	shalt  }
0x4a: {  	_ =	shalt  }
0x4b: {  	_ =	shalt  }
0x4c: {  	_ =	shalt  }
0x4d: {  	_ =	shalt  }
0x4e: {  	_ =	shalt  }
0x4f: {  	_ =	shalt  }
0x50: {  	_ =	shalt  }
0x51: {  	_ =	shalt  }
0x52: {  	_ =	shalt  }
0x53: {  	_ =	shalt  }
0x54: {  	_ =	shalt  }
0x55: {  	_ =	shalt  }
0x56: {  	_ =	shalt  }
0x57: {  	_ =	shalt  }
0x58: {  	_ =	shalt  }
0x59: {  	_ =	shalt  }
0x5a: {  	_ =	shalt  }
0x5b: {  	_ =	shalt  }
0x5c: {  	_ =	shalt  }
0x5d: {  	_ =	shalt  }
0x5e: {  	_ =	shalt  }
0x5f: {  	_ =	shalt  }
0x60: {  	_ =	shalt  }
0x61: {  	_ =	shalt  }
0x62: {  	_ =	shalt  }
0x63: {  	_ =	shalt  }
0x64: {  	_ =	shalt  }
0x65: {  	_ =	shalt  }
0x66: {  	_ =	shalt  }
0x67: {  	_ =	shalt  }
0x68: {  	_ =	shalt  }
0x69: {  	_ =	shalt  }
0x6a: {  	_ =	shalt  }
0x6b: {  	_ =	shalt  }
0x6c: {  	_ =	shalt  }
0x6d: {  	_ =	shalt  }
0x6e: {  	_ =	shalt  }
0x6f: {  	_ =	shalt  }
0x70: {  	_ =	shalt  }
0x71: {  	_ =	shalt  }
0x72: {  	_ =	shalt  }
0x73: {  	_ =	shalt  }
0x74: {  	_ =	shalt  }
0x75: {  	_ =	shalt  }
0x76: {  	_ =	shalt  }
0x77: {  	_ =	shalt  }
0x78: {  	_ =	shalt  }
0x79: {  	_ =	shalt  }
0x7a: {  	_ =	shalt  }
0x7b: {  	_ =	shalt  }
0x7c: {  	_ =	shalt  }
0x7d: {  	_ =	shalt  }
0x7e: {  	_ =	shalt  }
0x7f: {  	_ =	shalt  }
0x80: {  	_ =	shalt  }
0x81: {  	_ =	shalt  }
0x82: {  	_ =	shalt  }
0x83: {  	_ =	shalt  }
0x84: {  	_ =	shalt  }
0x85: {  	_ =	shalt  }
0x86: {  	_ =	shalt  }
0x87: {  	_ =	shalt  }
.Lfunc_end0:
.L_simem_size_0:
called_computation_lowered:
.L_overlay_start_0:
0x88: {  	s2 =	sld [smem:$0x3FD9]  }
0x89: {  	s3 =	sld [smem:$0x3FFE];
	_ =	sdelay $0x1  }
0x8a: {  	s1 =	srdreg.scid  }
0x8b: {  	s0 =	sand.u32 $0x1, s1  }
0x8c: {  	s17 =	sshll.u32 s0, $0xA;
	s2 =	sadd.s32 s3, s2  }
0x8d: {  	s2 =	sadd.s32 s2, s17  }
0x8e: {  	[smem:$0x3FC0] =	sst s2  }
0x8f: {  	_ = 	snop  }
0x90: {  	s2 =	sld [smem:$0x3FD0];
	(tm) =	ssettm $0x1  }
0x91: {  	s18 =	sld [smem:$0x3FFB];
	_ =	sdelay $0x3  }
0x92: {  	_ =	strace s18  }
0x93: {  	s3 =	sld [smem:$0x3FFC];
	_ =	sdelay $0x3  }
0x94: {  	_ =	strace s3  }
0x95: {  	s3 =	sld [smem:$0x3FFD];
	_ =	sdelay $0x3  }
0x96: {  	_ =	strace s3  }
0x97: {  	_ =	strace $0x8FFFFFFF  }
0x98: {  	s19 =	sld [smem:$0x3FDB];
	_ =	sdelay $0x1  }
0x99: {  	s4 =	simm.s32 $_scs_section_size  }
0x9a: {  	s5 =	simm.s32 $_size__tile_overlayer_lowered;
	s6 =	simm.s32 $_tile_overlayer_lowered  }
0x9b: {  	s22 =	simm.s32 $0x1BFF;
	s21 =	sshll.u32 s6, $0x1;
	s3 =	sadd.s32 s4, s19  }
0x9c: {  	s7 =	simm.s32 $0x0;
	s20 =	sshll.u32 s5, $0x1;
	s5 =	sadd.s32 s21, s3  }
0x9d: {  	[timem:s7], [sflag:s22] =	dma.local [hbm:s5], s20  }
0x9e: {  	_ =	swait.ge [sflag:s22], s20  }
0x9f: {  	s4 =	ssub.s32 $0x0, s20;
	[sflag:s22] =	ssyncset.done $0x0  }
0xa0: {  	[sflag:s22] =	ssyncadd.s32 s4;
	_ =	sdelay $0x1  }
0xa1: {  	s23 =	simm.s32 $0x1B8B  }
0xa2: {  	_ =	swait.ge [sflag:s23], $0x1  }
0xa3: {  	[sflag:s23] =	ssyncset.done $0x0  }
0xa4: {  	s25 =	simm.s32 $0x1B8E;
	s24 =	sld [smem:$0x3FFE];
	[sflag:s23] =	ssyncadd.s32 $0xFFFFFFFF  }
0xa5: {  	s26 =	simm.s32 $execute0_lowered;
	[smem:$0x3FD2] =	sst s25  }
0xa6: {  	s5 =	sshll.u32 s26, $0x1;
	_ =	strace $0x80000046;
	[dreg:$0x1] =	wrdreg $0xFFFFFFFF  }
0xa7: {  	s28 =	simm.s32 $_size_execute0_lowered;
	s3 =	sadd.s32 s3, s5;
	[dreg:$0x0] =	wrdreg $0x0  }
0xa8: {  	s5 =	sshll.u32 s28, $0x1;
	[dreg:$0x2] =	wrdreg s3  }
0xa9: {  	[dreg:$0x3] =	wrdreg s5  }
0xaa: {  	[dreg:$0x4] =	wrdreg $0xC0  }
0xab: {  	_ =	task [dreg:s7], $0x5FFFF  }
0xac: {  	[dreg:$0x1] =	wrdreg $0xFFFFFFFF  }
0xad: {  	[dreg:$0x0] =	wrdreg $0x60  }
0xae: {  	[dreg:$0x2] =	wrdreg s2  }
0xaf: {  	[dreg:$0x3] =	wrdreg s24  }
0xb0: {  	[dreg:$0x4] =	wrdreg $0x96A00  }
0xb1: {  	[dreg:$0x5] =	wrdreg $0x9  }
0xb2: {  	_ =	task.clear_ibuf [dreg:s7], $0x6FFFF;
	_ =	strace $0x90000046  }
0xb3: {  	s29 =	simm.s32 $0x9;
	_ =	strace $0x80000048  }
0xb4: {  	_ =	swait.ge [sflag:s29], $0x1  }
0xb5: {  	[sflag:s29] =	ssyncadd.s32 $0xFFFFFFFF  }
0xb6: {  	_ =	strace $0x90000048  }
0xb7: {  	_ =	sfence  }
0xb8: {  	s30 =	sld [smem:$0x0];
	_ =	sdelay $0x2  }
0xb9: {  	s31 =	sshll.u32 s1, $0xD;
	s1 =	sshrl.u32 s1, $0x2  }
0xba: {  	s3 =	sand.u32 $0x4000, s31;
	s1 =	sadd.s32 s1, s30  }
0xbb: {  	s0 =	sor.u32 s3, s0;
	s1 =	sshll.u32 s1, $0x11  }
0xbc: {  	s0 =	sor.u32 s1, s0  }
0xbd: {  	s0 =	sadd.s32 $0x8F2B, s0  }
0xbe: {  	[sflag:s0] =	ssyncadd.remote.s32 $0x1  }
0xbf: {  	_ =	sfence.sel $0xFFFF  }
0xc0: {  	[dreg:$0x0] =	wrdreg $0xFFFFFFFF;
	(pc) =	sbr.abs _section_cstart, $3  }
0xc1: {  	[dreg:$0x1] =	wrdreg $0xFFFFFFFF  }
0xc2: {  	_ =	task.clear_ibuf [dreg:s7], $0x2FFFF;
	_ =	strace $0x9FFFFFFF  }
0xc3: {  	(tm) =	ssettm $0x7FFFFFFF  }
tec
execute0_lowered:
.L_overlay_start_1:
0x0: {  	(tag) =	ssettag $0x1  }
0x1: {  	s0 =	rddreg [dreg:$0x0]  }
0x2: {  	s1 =	rddreg [dreg:$0x1]  }
0x3: {  	s2 =	srdreg.scid;
	s11 =	stileid.u32  }
0x4: {  	s3 =	rddreg [dreg:$0x2];
	s17 =	simm.s32 $0x0;
	s9 =	smul.u32 $0x57E40, s11  }
0x5: {  	s2 =	sand.u32 $0x1, s2;
	s8 =	smul.u32 $0x15F90, s11;
	[smem:$0x7FF] =	sst s17  }
0x6: {  	s4 =	smul.u32 $0x15F900, s2;
	_ =	strace $0x80000047;
	s9 =	sshrl.u32 s9, $0x2  }
0x7: {  	s29 =	ssub.s32 $0x2, s2;
	s2 =	sshll.u32 s2, $0x4;
	s9 =	sadd.s32 s9, s3  }
0x8: {  	s2 =	sor.u32 s11, s2;
	s11 =	sadd.s32 $0x15180, s9;
	[dreg:$0x5] =	wrdreg s9  }
0x9: {  	s14 =	sadd.s32 $0x1680, s9;
	[dreg:$0x6] =	wrdreg s11  }
0xa: {  	s30 =	simm.s32 $0x4;
	s15 =	sadd.s32 $0x2D00, s9;
	[dreg:$0x9] =	wrdreg s14  }
0xb: {  	s31 =	simm.s32 $0x7D0;
	s16 =	sadd.s32 $0x4380, s9;
	[dreg:$0xa] =	wrdreg s15  }
0xc: {  	s5 =	sadd.s32 $0x1000, s1;
	s18 =	sadd.s32 $0x5A00, s9;
	[dreg:$0xb] =	wrdreg s16  }
0xd: {  	s6 =	sadd.s32 $0x1E800, s1;
	s19 =	sadd.s32 $0x7080, s9;
	[dreg:$0xc] =	wrdreg s18  }
0xe: {  	s7 =	sadd.s32 $0x14A00, s1;
	s20 =	sadd.s32 $0x8700, s9;
	[dreg:$0xd] =	wrdreg s19  }
0xf: {  	s10 =	sshrl.u32 s29, $0x1;
	s21 =	sadd.s32 $0x9D80, s9;
	[dreg:$0xe] =	wrdreg s20  }
0x10: {  	s12 =	sadd.s32 s8, s3;
	s22 =	sadd.s32 $0xB400, s9;
	[dreg:$0xf] =	wrdreg s21  }
0x11: {  	s4 =	sadd.s32 s8, s4;
	s23 =	sadd.s32 $0xCA80, s9;
	[dreg:$0x10] =	wrdreg s22  }
0x12: {  	s4 =	sshrl.u32 s4, $0x3;
	s24 =	sadd.s32 $0xE100, s9;
	[dreg:$0x11] =	wrdreg s23  }
0x13: {  	s25 =	sadd.s32 $0xF780, s9;
	s26 =	sadd.s32 $0x10E00, s9;
	[dreg:$0x12] =	wrdreg s24  }
0x14: {  	s28 =	sadd.s32 $0x12480, s9;
	s1 =	sadd.s32 s4, s1;
	[dreg:$0x13] =	wrdreg s25  }
0x15: {  	v0 =	vimm.f32 $0.0e+00;
	v1 =	vlaneseq.u32;
	s4 =	ssub.s32 s29, s10;
	s10 =	smul.u32 $0x2710, s2;
	[dreg:$0x14] =	wrdreg s26  }
0x16: {  	vm0 =	vcmask $0x300;
	vm1 =	vcmask $0x704;
	vm10 =	vcmask $0xB08;
	[dreg:$0x16] =	wrdreg s28;
	s29 =	sadd.s32 $0x13B00, s9;
	s2 =	simm.s32 $0xFA0  }
0x17: {  	vm11 =	vcmask $0xF0C;
	vm12 =	vcmask $0x1310;
	vm13 =	vcmask $0x1714;
	s9 =	simm.s32 $0x4BA0;
	s11 =	simm.s32 $0x23A0;
	s14 =	simm.s32 $0x1  }
0x18: {  	vm14 =	vcmask $0x1B18;
	vm15 =	vcmask $0x1F1C;
	v8 =	vmul.u32 $0xFFFFFFFF, v1;
	s15 =	simm.s32 $0x2;
	s1 =	sadd.s32 $0x28600, s1;
	[dreg:$0x17] =	wrdreg s29  }
0x19: {  	v1 =	vsel vm0, $0x3F800000, v0;
	v2 =	vsel vm1, $0x3F800000, v0;
	v3 =	vsel vm10, $0x3F800000, v0;
	s16 =	simm.s32 $0x3;
	s13 =	smax.u32 s4, $0x1;
	[dreg:$0x7] =	wrdreg s1  }
0x1a: {  	v4 =	vsel vm11, $0x3F800000, v0;
	v5 =	vsel vm12, $0x3F800000, v0;
	v6 =	vsel vm13, $0x3F800000, v0;
	[dreg:$0x8] =	wrdreg s13;
	s1 =	sshrl.u32 s12, $0x3;
	s12 =	simm.s32 $0x7F8  }
0x1b: {  	v7 =	vsel vm14, $0x3F800000, v0;
	v9 =	vsel vm15, $0x3F800000, v0;
	v8 =	vadd.s32 $0xF, v8;
	s13 =	simm.s32 $0x55A0;
	[dreg:$0x15] =	wrdreg s1;
	s1 =	simm.s32 $0x28  }
.LBB2_1:
0x1c: {  	[dreg:$0x4] =	wrdreg s17;
	s4 =	simm.s32 $0x0;
	s8 =	simm.s32 $0x240  }
.LBB2_2:
0x1d: {  	p0 =	sne.s32 s8, $0x57C0;
	[tilespmem:s4+$0x6A20] =	vst v0  }
0x1e: {  	[tilespmem:s4+$0x69A0] =	vst v0  }
0x1f: {  	[tilespmem:s4+$0x69B0] =	vst v0  }
0x20: {  	[tilespmem:s4+$0x69C0] =	vst v0  }
.Ltmp0:
0x21: {  	[tilespmem:s4+$0x69D0] =	vst v0;
	(pc) =	sbr.rel @p0 .LBB2_2-.Ltmp0, $4  }
0x22: {  	[tilespmem:s4+$0x69E0] =	vst v0  }
0x23: {  	[tilespmem:s4+$0x69F0] =	vst v0  }
0x24: {  	[tilespmem:s4+$0x6A00] =	vst v0  }
0x25: {  	[tilespmem:s4+$0x6A10] =	vst v0;
	s4 =	sshra.s32 s8, $0x2;
	s8 =	sadd.s32 $0x240, s8  }
0x26: {  	[tilespmem:s4+$0x6A20] =	vst v0  }
0x27: {  	[tilespmem:s4+$0x69A0] =	vst v0  }
0x28: {  	[tilespmem:s4+$0x69B0] =	vst v0  }
0x29: {  	[tilespmem:s4+$0x69C0] =	vst v0  }
0x2a: {  	[tilespmem:s4+$0x69D0] =	vst v0  }
0x2b: {  	[tilespmem:s4+$0x69E0] =	vst v0  }
0x2c: {  	[tilespmem:s4+$0x69F0] =	vst v0  }
0x2d: {  	[tilespmem:s4+$0x6A00] =	vst v0  }
0x2e: {  	[tilespmem:s4+$0x6A10] =	vst v0;
	s25 =	rddreg [dreg:$0x5];
	s8 =	simm.s32 $0x69A0  }
0x2f: {  	[spmem:s25] =	stream.linear.scatter [tilespmem:s8], [sflag:$0x4], $0x1680, $0x38;
	[tilespmem:$0x1F630] =	vst v63  }
0x30: {  	_ =	swait.ge [sflag:s30], $0x1680  }
0x31: {  	[sflag:s30] =	ssyncset.done $0x0  }
0x32: {  	s26 =	rddreg [dreg:$0x9];
	[sflag:s30] =	ssyncadd.s32 $0xFFFFE980  }
0x33: {  	[spmem:s26] =	stream.linear.scatter [tilespmem:s8], [sflag:$0x4], $0x1680, $0x38;
	[tilespmem:$0x1F630] =	vst v63  }
0x34: {  	_ =	swait.ge [sflag:s30], $0x1680  }
0x35: {  	[sflag:s30] =	ssyncset.done $0x0  }
0x36: {  	s28 =	rddreg [dreg:$0xa];
	[sflag:s30] =	ssyncadd.s32 $0xFFFFE980  }
0x37: {  	[spmem:s28] =	stream.linear.scatter [tilespmem:s8], [sflag:$0x4], $0x1680, $0x38;
	[tilespmem:$0x1F630] =	vst v63  }
0x38: {  	_ =	swait.ge [sflag:s30], $0x1680  }
0x39: {  	[sflag:s30] =	ssyncset.done $0x0  }
0x3a: {  	s29 =	rddreg [dreg:$0xb];
	[sflag:s30] =	ssyncadd.s32 $0xFFFFE980  }
0x3b: {  	[spmem:s29] =	stream.linear.scatter [tilespmem:s8], [sflag:$0x4], $0x1680, $0x38;
	[tilespmem:$0x1F630] =	vst v63  }
0x3c: {  	_ =	swait.ge [sflag:s30], $0x1680  }
0x3d: {  	[sflag:s30] =	ssyncset.done $0x0  }
0x3e: {  	s17 =	rddreg [dreg:$0xc];
	[sflag:s30] =	ssyncadd.s32 $0xFFFFE980  }
0x3f: {  	[spmem:s17] =	stream.linear.scatter [tilespmem:s8], [sflag:$0x4], $0x1680, $0x38;
	[tilespmem:$0x1F630] =	vst v63  }
0x40: {  	_ =	swait.ge [sflag:s30], $0x1680  }
0x41: {  	[sflag:s30] =	ssyncset.done $0x0  }
0x42: {  	s18 =	rddreg [dreg:$0xd];
	[sflag:s30] =	ssyncadd.s32 $0xFFFFE980  }
0x43: {  	[spmem:s18] =	stream.linear.scatter [tilespmem:s8], [sflag:$0x4], $0x1680, $0x38;
	[tilespmem:$0x1F630] =	vst v63  }
0x44: {  	_ =	swait.ge [sflag:s30], $0x1680  }
0x45: {  	[sflag:s30] =	ssyncset.done $0x0  }
0x46: {  	s19 =	rddreg [dreg:$0xe];
	[sflag:s30] =	ssyncadd.s32 $0xFFFFE980  }
0x47: {  	[spmem:s19] =	stream.linear.scatter [tilespmem:s8], [sflag:$0x4], $0x1680, $0x38;
	[tilespmem:$0x1F630] =	vst v63  }
0x48: {  	_ =	swait.ge [sflag:s30], $0x1680  }
0x49: {  	[sflag:s30] =	ssyncset.done $0x0  }
0x4a: {  	s20 =	rddreg [dreg:$0xf];
	[sflag:s30] =	ssyncadd.s32 $0xFFFFE980  }
0x4b: {  	[spmem:s20] =	stream.linear.scatter [tilespmem:s8], [sflag:$0x4], $0x1680, $0x38;
	[tilespmem:$0x1F630] =	vst v63  }
0x4c: {  	_ =	swait.ge [sflag:s30], $0x1680  }
0x4d: {  	[sflag:s30] =	ssyncset.done $0x0  }
0x4e: {  	s21 =	rddreg [dreg:$0x10];
	[sflag:s30] =	ssyncadd.s32 $0xFFFFE980  }
0x4f: {  	[spmem:s21] =	stream.linear.scatter [tilespmem:s8], [sflag:$0x4], $0x1680, $0x38;
	[tilespmem:$0x1F630] =	vst v63  }
0x50: {  	_ =	swait.ge [sflag:s30], $0x1680  }
0x51: {  	[sflag:s30] =	ssyncset.done $0x0  }
0x52: {  	s22 =	rddreg [dreg:$0x11];
	[sflag:s30] =	ssyncadd.s32 $0xFFFFE980  }
0x53: {  	[spmem:s22] =	stream.linear.scatter [tilespmem:s8], [sflag:$0x4], $0x1680, $0x38;
	[tilespmem:$0x1F630] =	vst v63  }
0x54: {  	_ =	swait.ge [sflag:s30], $0x1680  }
0x55: {  	[sflag:s30] =	ssyncset.done $0x0  }
0x56: {  	s23 =	rddreg [dreg:$0x12];
	[sflag:s30] =	ssyncadd.s32 $0xFFFFE980  }
0x57: {  	[spmem:s23] =	stream.linear.scatter [tilespmem:s8], [sflag:$0x4], $0x1680, $0x38;
	[tilespmem:$0x1F630] =	vst v63  }
0x58: {  	_ =	swait.ge [sflag:s30], $0x1680  }
0x59: {  	[sflag:s30] =	ssyncset.done $0x0  }
0x5a: {  	s24 =	rddreg [dreg:$0x13];
	[sflag:s30] =	ssyncadd.s32 $0xFFFFE980  }
0x5b: {  	[spmem:s24] =	stream.linear.scatter [tilespmem:s8], [sflag:$0x4], $0x1680, $0x38;
	[tilespmem:$0x1F630] =	vst v63  }
0x5c: {  	_ =	swait.ge [sflag:s30], $0x1680  }
0x5d: {  	[sflag:s30] =	ssyncset.done $0x0  }
0x5e: {  	s25 =	rddreg [dreg:$0x14];
	[sflag:s30] =	ssyncadd.s32 $0xFFFFE980  }
0x5f: {  	[spmem:s25] =	stream.linear.scatter [tilespmem:s8], [sflag:$0x4], $0x1680, $0x38;
	[tilespmem:$0x1F630] =	vst v63  }
0x60: {  	_ =	swait.ge [sflag:s30], $0x1680  }
0x61: {  	[sflag:s30] =	ssyncset.done $0x0  }
0x62: {  	s26 =	rddreg [dreg:$0x16];
	[sflag:s30] =	ssyncadd.s32 $0xFFFFE980  }
0x63: {  	[spmem:s26] =	stream.linear.scatter [tilespmem:s8], [sflag:$0x4], $0x1680, $0x38;
	[tilespmem:$0x1F630] =	vst v63  }
0x64: {  	_ =	swait.ge [sflag:s30], $0x1680  }
0x65: {  	[sflag:s30] =	ssyncset.done $0x0  }
0x66: {  	s28 =	rddreg [dreg:$0x17];
	[sflag:s30] =	ssyncadd.s32 $0xFFFFE980  }
0x67: {  	[spmem:s28] =	stream.linear.scatter [tilespmem:s8], [sflag:$0x4], $0x1680, $0x38;
	[tilespmem:$0x1F630] =	vst v63  }
0x68: {  	_ =	swait.ge [sflag:s30], $0x1680  }
0x69: {  	[sflag:s30] =	ssyncset.done $0x0  }
0x6a: {  	s29 =	rddreg [dreg:$0x6];
	[sflag:s30] =	ssyncadd.s32 $0xFFFFE980  }
0x6b: {  	[spmem:s29] =	stream.linear.scatter [tilespmem:s8], [sflag:$0x4], $0xE10, $0x38;
	[tilespmem:$0x1F630] =	vst v63  }
0x6c: {  	_ =	swait.ge [sflag:s30], $0xE10  }
0x6d: {  	[sflag:s30] =	ssyncset.done $0x0  }
0x6e: {  	[sflag:s30] =	ssyncadd.s32 $0xFFFFF1F0  }
0x6f: {  	s17 =	simm.s32 $0x0;
	s18 =	simm.s32 $0x0;
	[bflag:$0x0] =	sbarrier.arrive $0xFFFF  }
.LBB2_4:
0x70: {  	s4 =	smul.u32 $0x7D0, s18;
	_ =	sdelay $0x1  }
0x71: {  	s4 =	sadd.s32 s10, s4  }
0x72: {  	s4 =	sshrl.u32 s4, $0x3  }
0x73: {  	s8 =	sadd.s32 s6, s4  }
0x74: {  	[tilespmem:s17], [sflag:$0x4] =	stream.linear.gather [hbm4b:s8+s17], $0x7D0, $0x38;
	[tilespmem:$0x1F630] =	vst v63  }
0x75: {  	_ =	swait.ge [sflag:s30], $0x7D0  }
0x76: {  	[sflag:s30] =	ssyncset.done $0x0  }
0x77: {  	s4 =	sadd.s32 s7, s4;
	[sflag:s30] =	ssyncadd.s32 $0xFFFFF830  }
0x78: {  	[tilespmem:s31], [sflag:$0x4] =	stream.linear.gather [hbm4b:s4+s17], $0x7D0, $0x38;
	[tilespmem:$0x1F630] =	vst v63  }
0x79: {  	_ =	swait.ge [sflag:s30], $0x7D0  }
0x7a: {  	[sflag:s30] =	ssyncset.done $0x0  }
0x7b: {  	[sflag:s30] =	ssyncadd.s32 $0xFFFFF830  }
0x7c: {  	[tilespmem:s2], [sflag:$0x1] =	stream.indirect.gather [hbm4b:s0+s1], $0x80, s17, s1, $0xb8;
	[tilespmem:$0x1F630] =	vst v63  }
0x7d: {  	_ = 	snop  }
0x7e: {  	[tilespmem:s9], [sflag:$0x2] =	stream.indirect.gather [hbm4b:s5+s1], $0x40, s31, s1, $0xb8;
	[tilespmem:$0x1F630] =	vst v63  }
0x7f: {  	_ = 	snop  }
0x80: {  	[tilespmem:s11], [sflag:$0x1] =	stream.indirect.gather [hbm4b:s0+s1], $0x80, s1, s1, $0xb8;
	[tilespmem:$0x1F630] =	vst v63  }
0x81: {  	s19 =	simm.s32 $0x0;
	s20 =	simm.s32 $0x0;
	s21 =	simm.s32 $0x0  }
0x82: {  	[tilespmem:s13], [sflag:$0x2] =	stream.indirect.gather [hbm4b:s5+s1], $0x40, s12, s1, $0xb8;
	[tilespmem:$0x1F630] =	vst v63  }
.LBB2_5:
0x83: {  	s4 =	smul.u32 $0x28, s20;
	_ =	sdelay $0x1  }
0x84: {  	p0 =	seq.s32 s20, $0x0;
	s4 =	sadd.s32 $0xFFFFFFD8, s4  }
0x85: {  	s8 =	smin.u32 s21, $0x2F;
	s4 =	simm.s32 @p0 $0x50  }
0x86: {  	s8 =	smul.u32 $0x28, s8;
	s22 =	sshll.u32 s4, $0x9  }
0x87: {  	s4 =	sshll.u32 s4, $0x8;
	s22 =	sshra.s32 s22, $0x2  }
0x88: {  	s23 =	sadd.s32 $0x50, s8;
	s4 =	sshra.s32 s4, $0x2;
	s22 =	sadd.s32 $0xFA0, s22  }
0x89: {  	[tilespmem:s22], [sflag:$0x1] =	stream.indirect.gather [hbm4b:s0+s1], $0x80, s23, s1, $0xb8;
	[tilespmem:$0x1F630] =	vst v63  }
0x8a: {  	s8 =	sadd.s32 $0x820, s8;
	s4 =	sadd.s32 $0x4BA0, s4  }
0x8b: {  	[tilespmem:s4], [sflag:$0x2] =	stream.indirect.gather [hbm4b:s5+s1], $0x40, s8, s1, $0xb8;
	[tilespmem:$0x1F630] =	vst v63  }
0x8c: {  	_ =	swait.ge [sflag:s14], $0x1400  }
0x8d: {  	[sflag:s14] =	ssyncset.done $0x0  }
0x8e: {  	[sflag:s14] =	ssyncadd.s32 $0xFFFFEC00  }
0x8f: {  	_ =	swait.ge [sflag:s15], $0xA00  }
0x90: {  	p0 =	slt.u32 s21, $0x2;
	[sflag:s15] =	ssyncset.done $0x0  }
0x91: {  	s23 =	smul.u32 $0x5000, s20;
	s4 =	simm.s32 @!p0 $0x3;
	[sflag:s15] =	ssyncadd.s32 $0xFFFFF600  }
0x92: {  	s24 =	smul.u32 $0x2800, s20;
	_ =	swait.ge @!p0 [sflag:s4], $0x1680  }
0x93: {  	s8 =	sshra.s32 s23, $0x2;
	[sflag:s4] =	ssyncset.done @!p0 $0x0  }
0x94: {  	s25 =	sshra.s32 s24, $0x2;
	s28 =	sadd.s32 $0x10A0, s8;
	[sflag:s4] =	ssyncadd.s32 @!p0 $0xFFFFE980  }
0x95: {  	s4 =	sadd.s32 $0x4C20, s25;
	v10 =	vld [tilespmem:s28+$0x80]  }
0x96: {  	v11 =	vld [tilespmem:s4+$0x40];
	_ =	sdelay $0x4  }
0x97: {  	v12 =	vunpack.i.l.bf16.f32 v10;
	v13 =	vunpack.i.l.bf16.f32 v11  }
0x98: {  	v10 =	vunpack.i.u.bf16.f32 v10;
	v11 =	vunpack.i.u.bf16.f32 v11;
	v12 =	vmul.f32 v13, v12  }
0x99: {  	v10 =	vmul.f32 v11, v10  }
0x9a: {  	(xrf2) =	vadd.scan.msk.f32 $0xffff, v12  }
0x9b: {  	(xrf2) =	vadd.scan.msk.f32 $0xffff, v10;
	_ =	sdelay $0x2  }
0x9c: {  	v11 =	vld [tilespmem:s28+$0xFFFFFF00]  }
0x9d: {  	v10 =	vld [tilespmem:s4+$0xFFFFFF80];
	_ =	sdelay $0x4  }
0x9e: {  	v13 =	vunpack.i.l.bf16.f32 v11;
	v12 =	vunpack.i.u.bf16.f32 v10;
	v10 =	vunpack.i.l.bf16.f32 v10;
	v14, _, _ =	vpop (xrf2)  }
0x9f: {  	v11 =	vunpack.i.u.bf16.f32 v11;
	v10 =	vmul.f32 v10, v13;
	v13 =	vperm.xlane v14, v8;
	v14, _, _ =	vpop (xrf2)  }
0xa0: {  	v11 =	vmul.f32 v12, v11;
	v12 =	vperm.xlane v14, v8  }
0xa1: {  	(xrf2) =	vadd.scan.msk.f32 $0xffff, v10;
	v10 =	vmul.f32 v1, v13  }
0xa2: {  	(xrf2) =	vadd.scan.msk.f32 $0xffff, v11;
	v11 =	vmul.f32 v1, v12  }
0xa3: {  	(xrf2) =	vadd.scan.msk.f32 $0xffff, v10  }
0xa4: {  	(xrf2) =	vadd.scan.msk.f32 $0xffff, v11;
	_ =	sdelay $0x6  }
0xa5: {  	v10, _, _ =	vpop (xrf2)  }
0xa6: {  	v14, _, _ =	vpop (xrf2)  }
0xa7: {  	v12 =	vld [tilespmem:s4+$0xFFFFFFC0];
	v13, _, _ =	vpop (xrf2)  }
0xa8: {  	v11 =	vld [tilespmem:s28+$0xFFFFFF80];
	v13 =	vmax.f32 v13, $-5.000000000e+00;
	v15, _, _ =	vpop (xrf2)  }
0xa9: {  	v13 =	vmin.f32 v13, $5.000000000e+00;
	v15 =	vmax.f32 v15, $-5.000000000e+00  }
0xaa: {  	v16 =	vld [tilespmem:s28+$0x0];
	v13 =	vmul.f32 $1.442695020e+00, v13;
	v15 =	vmin.f32 v15, $5.000000000e+00  }
0xab: {  	v17 =	vld [tilespmem:s4+$0x0];
	v15 =	vmul.f32 $1.442695020e+00, v15  }
0xac: {  	v19 =	vunpack.i.l.bf16.f32 v12;
	(erf) = vpow2.f32 v13  }
0xad: {  	v18 =	vunpack.i.u.bf16.f32 v11;
	v11 =	vunpack.i.l.bf16.f32 v11;
	(erf) = vpow2.f32 v15  }
0xae: {  	v12 =	vunpack.i.u.bf16.f32 v12;
	v11 =	vmul.f32 v19, v11  }
0xaf: {  	v12 =	vmul.f32 v12, v18  }
0xb0: {  	(xrf2) =	vadd.scan.msk.f32 $0xffff, v11;
	v13 =	vunpack.i.l.bf16.f32 v16;
	v15 =	vunpack.i.l.bf16.f32 v17  }
0xb1: {  	(xrf2) =	vadd.scan.msk.f32 $0xffff, v12;
	v12 =	vld [tilespmem:s28+$0xC0];
	v13 =	vmul.f32 v15, v13;
	_ =	sdelay $0x1  }
0xb2: {  	v11 =	vunpack.i.u.bf16.f32 v16;
	v16 =	vunpack.i.u.bf16.f32 v17  }
0xb3: {  	v11 =	vmul.f32 v16, v11  }
0xb4: {  	(xrf2) =	vadd.scan.msk.f32 $0xffff, v13;
	v13 =	vpop (erf)  }
0xb5: {  	s26 =	smul.u32 $0x5A00, s19;
	v15 =	vunpack.i.u.bf16.f32 v12;
	(xrf2) =	vadd.scan.msk.f32 $0xffff, v11;
	v11 =	vunpack.i.l.bf16.f32 v12;
	v12 =	vpop (erf)  }
0xb6: {  	v15 =	vmul.f32 v12, v15  }
0xb7: {  	s22 =	sshra.s32 s26, $0x2;
	v11 =	vmul.f32 v13, v11  }
0xb8: {  	s23 =	sadd.s32 $0x6AC0, s22  }
0xb9: {  	[tilespmem:s23+$0x90] =	vst v11;
	v11 =	vperm.xlane v14, v8;
	v14, _, _ =	vpop (xrf2)  }
0xba: {  	v10 =	vperm.xlane v10, v8;
	[tilespmem:s23+$0xA0] =	vst v15;
	v14 =	vperm.xlane v14, v8;
	v15, _, _ =	vpop (xrf2)  }
0xbb: {  	v15 =	vperm.xlane v15, v8  }
0xbc: {  	v10 =	vmul.f32 v1, v10;
	v16 =	vld [tilespmem:s28+$0x90]  }
0xbd: {  	v11 =	vmul.f32 v1, v11;
	v17 =	vld [tilespmem:s4+$0x50]  }
0xbe: {  	(xrf2) =	vadd.scan.msk.f32 $0xffff, v10;
	v10 =	vmul.f32 v1, v14;
	v14, _, _ =	vpop (xrf2)  }
0xbf: {  	(xrf2) =	vadd.scan.msk.f32 $0xffff, v11;
	v11 =	vmul.f32 v1, v15;
	v14 =	vperm.xlane v14, v8;
	v15, _, _ =	vpop (xrf2)  }
0xc0: {  	(xrf2) =	vadd.scan.msk.f32 $0xffff, v10;
	v10 =	vperm.xlane v15, v8  }
0xc1: {  	v14 =	vmul.f32 v1, v14;
	(xrf2) =	vadd.scan.msk.f32 $0xffff, v11  }
0xc2: {  	v11 =	vunpack.i.l.bf16.f32 v16;
	v15 =	vunpack.i.l.bf16.f32 v17;
	v10 =	vmul.f32 v1, v10  }
0xc3: {  	(xrf2) =	vadd.scan.msk.f32 $0xffff, v14;
	v11 =	vmul.f32 v15, v11;
	v14 =	vunpack.i.u.bf16.f32 v16;
	v15 =	vunpack.i.u.bf16.f32 v17  }
0xc4: {  	(xrf2) =	vadd.scan.msk.f32 $0xffff, v10;
	v10 =	vmul.f32 v15, v14;
	_ =	sdelay $0x2  }
0xc5: {  	(xrf2) =	vadd.scan.msk.f32 $0xffff, v11  }
0xc6: {  	(xrf2) =	vadd.scan.msk.f32 $0xffff, v10;
	v10, _, _ =	vpop (xrf2)  }
0xc7: {  	v10 =	vmax.f32 v10, $-5.000000000e+00;
	v11, _, _ =	vpop (xrf2)  }
0xc8: {  	v10 =	vmin.f32 v10, $5.000000000e+00;
	v14, _, _ =	vpop (xrf2)  }
0xc9: {  	v11 =	vmax.f32 v11, $-5.000000000e+00;
	v10 =	vmul.f32 $1.442695020e+00, v10;
	v15, _, _ =	vpop (xrf2)  }
0xca: {  	v11 =	vmin.f32 v11, $5.000000000e+00;
	v14 =	vmax.f32 v14, $-5.000000000e+00;
	v15 =	vmax.f32 v15, $-5.000000000e+00  }
0xcb: {  	v11 =	vmul.f32 $1.442695020e+00, v11;
	v14 =	vmin.f32 v14, $5.000000000e+00  }
0xcc: {  	(erf) = vpow2.f32 v10;
	v10 =	vmul.f32 $1.442695020e+00, v14;
	v14 =	vmin.f32 v15, $5.000000000e+00  }
0xcd: {  	(erf) = vpow2.f32 v11;
	v11 =	vmul.f32 $1.442695020e+00, v14;
	v15, _, _ =	vpop (xrf2)  }
0xce: {  	(erf) = vpow2.f32 v10;
	v14 =	vmax.f32 v15, $-5.000000000e+00;
	v15, _, _ =	vpop (xrf2)  }
0xcf: {  	(erf) = vpow2.f32 v11;
	v10 =	vmin.f32 v14, $5.000000000e+00;
	v11 =	vmax.f32 v15, $-5.000000000e+00  }
0xd0: {  	v10 =	vmul.f32 $1.442695020e+00, v10;
	v11 =	vmin.f32 v11, $5.000000000e+00  }
0xd1: {  	v14, _, _ =	vpop (xrf2);
	v11 =	vmul.f32 $1.442695020e+00, v11  }
0xd2: {  	v16 =	vld [tilespmem:s28+$0xFFFFFF40];
	v14 =	vperm.xlane v14, v8;
	v15, _, _ =	vpop (xrf2);
	(erf) = vpow2.f32 v10  }
0xd3: {  	v15 =	vperm.xlane v15, v8;
	(erf) = vpow2.f32 v11;
	v11 =	vld [tilespmem:s28+$0xFFFFFFC0]  }
0xd4: {  	v14 =	vmul.f32 v1, v14  }
0xd5: {  	v10 =	vmul.f32 v1, v15  }
0xd6: {  	v19 =	vpop (erf);
	(xrf2) =	vadd.scan.msk.f32 $0xffff, v14  }
0xd7: {  	v15 =	vunpack.i.u.bf16.f32 v16;
	v22 =	vpop (erf);
	(xrf2) =	vadd.scan.msk.f32 $0xffff, v10;
	v10 =	vld [tilespmem:s28+$0x40]  }
0xd8: {  	v14 =	vunpack.i.l.bf16.f32 v16;
	v15 =	vmul.f32 v22, v15;
	v16 =	vunpack.i.l.bf16.f32 v11  }
0xd9: {  	v14 =	vmul.f32 v19, v14  }
0xda: {  	v23 =	vpop (erf);
	[tilespmem:s23+$0xFFFFFEF0] =	vst v15  }
0xdb: {  	v11 =	vunpack.i.u.bf16.f32 v11;
	[tilespmem:s23+$0xFFFFFEE0] =	vst v14;
	v14 =	vmul.f32 v23, v16;
	v16 =	vpop (erf)  }
0xdc: {  	v21 =	vld [tilespmem:s4+$0xFFFFFF90];
	v15 =	vunpack.i.l.bf16.f32 v10;
	v11 =	vmul.f32 v16, v11;
	v17 =	vpop (erf)  }
0xdd: {  	v20 =	vld [tilespmem:s28+$0xFFFFFF10];
	[tilespmem:s23+$0xFFFFFF70] =	vst v14;
	v14 =	vmul.f32 v17, v15  }
0xde: {  	v10 =	vunpack.i.u.bf16.f32 v10;
	v18 =	vpop (erf)  }
0xdf: {  	[tilespmem:s23+$0xFFFFFF80] =	vst v11;
	v10 =	vmul.f32 v18, v10  }
0xe0: {  	v15 =	vld [tilespmem:s28+$0xFFFFFF90];
	[tilespmem:s23+$0x0] =	vst v14;
	v11, _, _ =	vpop (xrf2)  }
0xe1: {  	v24 =	vld [tilespmem:s4+$0xFFFFFFD0];
	v26 =	vunpack.i.l.bf16.f32 v21;
	[tilespmem:s23+$0x10] =	vst v10;
	v11 =	vmax.f32 v11, $-5.000000000e+00;
	v14, _, _ =	vpop (xrf2)  }
0xe2: {  	v25 =	vld [tilespmem:s28+$0x10];
	v10 =	vmin.f32 v11, $5.000000000e+00;
	v11 =	vmax.f32 v14, $-5.000000000e+00;
	v14 =	vunpack.i.u.bf16.f32 v20  }
0xe3: {  	v27 =	vld [tilespmem:s4+$0x10];
	v20 =	vunpack.i.l.bf16.f32 v20;
	v10 =	vmul.f32 $1.442695020e+00, v10;
	v11 =	vmin.f32 v11, $5.000000000e+00  }
0xe4: {  	v21 =	vunpack.i.u.bf16.f32 v21;
	v20 =	vmul.f32 v26, v20;
	v11 =	vmul.f32 $1.442695020e+00, v11  }
0xe5: {  	(erf) = vpow2.f32 v10;
	v10 =	vmul.f32 v21, v14  }
0xe6: {  	v14 =	vunpack.i.l.bf16.f32 v24;
	(xrf2) =	vadd.scan.msk.f32 $0xffff, v20;
	(erf) = vpow2.f32 v11;
	v11 =	vunpack.i.l.bf16.f32 v15  }
0xe7: {  	v20 =	vunpack.i.u.bf16.f32 v24;
	v15 =	vunpack.i.u.bf16.f32 v15;
	v11 =	vmul.f32 v14, v11;
	(xrf2) =	vadd.scan.msk.f32 $0xffff, v10  }
0xe8: {  	v10 =	vmul.f32 v20, v15;
	v14 =	vunpack.i.l.bf16.f32 v25;
	v15 =	vunpack.i.l.bf16.f32 v27  }
0xe9: {  	v20 =	vld [tilespmem:s28+$0xD0];
	(xrf2) =	vadd.scan.msk.f32 $0xffff, v11;
	v11 =	vmul.f32 v15, v14  }
0xea: {  	(xrf2) =	vadd.scan.msk.f32 $0xffff, v10  }
0xeb: {  	(xrf2) =	vadd.scan.msk.f32 $0xffff, v11;
	_ =	sdelay $0x2  }
0xec: {  	v10 =	vunpack.i.l.bf16.f32 v20;
	v15 =	vpop (erf)  }
0xed: {  	v11 =	vunpack.i.u.bf16.f32 v20;
	v10 =	vmul.f32 v15, v10;
	v14 =	vpop (erf)  }
0xee: {  	v20, _, _ =	vpop (xrf2);
	v11 =	vmul.f32 v14, v11  }
0xef: {  	v21 =	vunpack.i.u.bf16.f32 v27;
	v20 =	vperm.xlane v20, v8;
	[tilespmem:s23+$0xB0] =	vst v10;
	v10 =	vunpack.i.u.bf16.f32 v25;
	v24, _, _ =	vpop (xrf2)  }
0xf0: {  	[tilespmem:s23+$0xC0] =	vst v11;
	v10 =	vmul.f32 v21, v10;
	v11 =	vperm.xlane v24, v8  }
0xf1: {  	v20 =	vmul.f32 v1, v20;
	v21 =	vld [tilespmem:s28+$0xA0];
	v24, _, _ =	vpop (xrf2)  }
0xf2: {  	v25 =	vld [tilespmem:s4+$0x60];
	(xrf2) =	vadd.scan.msk.f32 $0xffff, v10;
	v10 =	vmul.f32 v1, v11;
	v11 =	vperm.xlane v24, v8;
	v24, _, _ =	vpop (xrf2)  }
0xf3: {  	(xrf2) =	vadd.scan.msk.f32 $0xffff, v20;
	v20 =	vperm.xlane v24, v8;
	v24, _, _ =	vpop (xrf2)  }
0xf4: {  	v11 =	vmul.f32 v1, v11;
	(xrf2) =	vadd.scan.msk.f32 $0xffff, v10;
	v10 =	vperm.xlane v24, v8  }
0xf5: {  	v20 =	vmul.f32 v1, v20  }
0xf6: {  	(xrf2) =	vadd.scan.msk.f32 $0xffff, v11;
	v10 =	vmul.f32 v1, v10  }
0xf7: {  	v11 =	vunpack.i.l.bf16.f32 v21;
	(xrf2) =	vadd.scan.msk.f32 $0xffff, v20;
	v20 =	vunpack.i.u.bf16.f32 v21;
	v21 =	vunpack.i.u.bf16.f32 v25  }
0xf8: {  	v24 =	vunpack.i.l.bf16.f32 v25;
	(xrf2) =	vadd.scan.msk.f32 $0xffff, v10;
	v10 =	vmul.f32 v21, v20  }
0xf9: {  	v11 =	vmul.f32 v24, v11;
	_ =	sdelay $0x1  }
0xfa: {  	(xrf2) =	vadd.scan.msk.f32 $0xffff, v11  }
0xfb: {  	(xrf2) =	vadd.scan.msk.f32 $0xffff, v10;
	v10, _, _ =	vpop (xrf2)  }
0xfc: {  	v11, _, _ =	vpop (xrf2)  }
0xfd: {  	v11 =	vmax.f32 v11, $-5.000000000e+00;
	v20, _, _ =	vpop (xrf2)  }
0xfe: {  	v11 =	vmin.f32 v11, $5.000000000e+00;
	v20 =	vmax.f32 v20, $-5.000000000e+00  }
0xff: {  	v11 =	vmul.f32 $1.442695020e+00, v11;
	v20 =	vmin.f32 v20, $5.000000000e+00  }
0x100: {  	v20 =	vmul.f32 $1.442695020e+00, v20  }
0x101: {  	v21, _, _ =	vpop (xrf2);
	(erf) = vpow2.f32 v11  }
0x102: {  	v10 =	vperm.xlane v10, v8;
	v24, _, _ =	vpop (xrf2);
	(erf) = vpow2.f32 v20  }
0x103: {  	v11, _, _ =	vpop (xrf2)  }
0x104: {  	v10 =	vmul.f32 v1, v10;
	v21 =	vmax.f32 v21, $-5.000000000e+00;
	v20, _, _ =	vpop (xrf2)  }
0x105: {  	v21 =	vmin.f32 v21, $5.000000000e+00;
	v24 =	vmax.f32 v24, $-5.000000000e+00;
	v20 =	vperm.xlane v20, v8;
	v25, _, _ =	vpop (xrf2)  }
0x106: {  	(xrf2) =	vadd.scan.msk.f32 $0xffff, v10;
	v21 =	vmul.f32 $1.442695020e+00, v21;
	v24 =	vmin.f32 v24, $5.000000000e+00;
	v10 =	vperm.xlane v25, v8;
	v25 =	vld [tilespmem:s28+$0xFFFFFF50]  }
0x107: {  	v24 =	vmul.f32 $1.442695020e+00, v24;
	v20 =	vmul.f32 v1, v20  }
0x108: {  	(erf) = vpow2.f32 v21;
	v10 =	vmul.f32 v1, v10  }
0x109: {  	(erf) = vpow2.f32 v24;
	(xrf2) =	vadd.scan.msk.f32 $0xffff, v20  }
0x10a: {  	(xrf2) =	vadd.scan.msk.f32 $0xffff, v10;
	v26 =	vpop (erf)  }
0x10b: {  	v21 =	vunpack.i.u.bf16.f32 v25;
	v27 =	vpop (erf)  }
0x10c: {  	v10 =	vld [tilespmem:s28+$0xFFFFFFD0];
	v20 =	vunpack.i.l.bf16.f32 v25;
	v21 =	vmul.f32 v27, v21  }
0x10d: {  	v20 =	vmul.f32 v26, v20  }
0x10e: {  	v11 =	vmax.f32 v11, $-5.000000000e+00  }
0x10f: {  	v11 =	vmin.f32 v11, $5.000000000e+00;
	[tilespmem:s23+$0xFFFFFF00] =	vst v20  }
0x110: {  	v11 =	vmul.f32 $1.442695020e+00, v11;
	[tilespmem:s23+$0xFFFFFF10] =	vst v21;
	v21, _, _ =	vpop (xrf2)  }
0x111: {  	v28 =	vpop (erf);
	v20 =	vunpack.i.u.bf16.f32 v10;
	v10 =	vunpack.i.l.bf16.f32 v10;
	v24 =	vld [tilespmem:s28+$0xFFFFFF20];
	v21 =	vmax.f32 v21, $-5.000000000e+00  }
0x112: {  	v29 =	vpop (erf);
	v25 =	vld [tilespmem:s4+$0xFFFFFFA0];
	v10 =	vmul.f32 v28, v10;
	v21 =	vmin.f32 v21, $5.000000000e+00  }
0x113: {  	v20 =	vmul.f32 v29, v20;
	v21 =	vmul.f32 $1.442695020e+00, v21;
	v30, _, _ =	vpop (xrf2)  }
0x114: {  	(erf) = vpow2.f32 v11;
	[tilespmem:s23+$0xFFFFFF90] =	vst v10;
	v10 =	vmax.f32 v30, $-5.000000000e+00;
	v11, _, _ =	vpop (xrf2)  }
0x115: {  	[tilespmem:s23+$0xFFFFFFA0] =	vst v20;
	(erf) = vpow2.f32 v21;
	v10 =	vmin.f32 v10, $5.000000000e+00;
	v11 =	vmax.f32 v11, $-5.000000000e+00  }
0x116: {  	v20 =	vld [tilespmem:s28+$0xFFFFFFA0];
	v10 =	vmul.f32 $1.442695020e+00, v10;
	v11 =	vmin.f32 v11, $5.000000000e+00  }
0x117: {  	v32 =	vld [tilespmem:s4+$0xFFFFFFE0];
	v30 =	vunpack.i.l.bf16.f32 v25;
	v21 =	vunpack.i.l.bf16.f32 v24;
	v11 =	vmul.f32 $1.442695020e+00, v11  }
0x118: {  	v33 =	vld [tilespmem:s28+$0x50];
	v21 =	vmul.f32 v30, v21;
	(erf) = vpow2.f32 v10  }
0x119: {  	(erf) = vpow2.f32 v11  }
0x11a: {  	(xrf2) =	vadd.scan.msk.f32 $0xffff, v21  }
0x11b: {  	v10 =	vunpack.i.u.bf16.f32 v24;
	v11 =	vunpack.i.u.bf16.f32 v25  }
0x11c: {  	v21 =	vunpack.i.l.bf16.f32 v32;
	v24 =	vld [tilespmem:s28+$0xE0];
	v10 =	vmul.f32 v11, v10;
	v11 =	vunpack.i.l.bf16.f32 v20  }
0x11d: {  	v31 =	vpop (erf);
	v25 =	vunpack.i.l.bf16.f32 v33;
	v11 =	vmul.f32 v21, v11  }
0x11e: {  	v21 =	vmul.f32 v31, v25;
	(xrf2) =	vadd.scan.msk.f32 $0xffff, v10;
	v10 =	vunpack.i.u.bf16.f32 v33;
	v30 =	vpop (erf)  }
0x11f: {  	(xrf2) =	vadd.scan.msk.f32 $0xffff, v11;
	v10 =	vmul.f32 v30, v10  }
0x120: {  	[tilespmem:s23+$0x20] =	vst v21  }
0x121: {  	[tilespmem:s23+$0x30] =	vst v10;
	v10 =	vunpack.i.l.bf16.f32 v24;
	v25 =	vpop (erf)  }
0x122: {  	v21 =	vunpack.i.u.bf16.f32 v24;
	v11 =	vld [tilespmem:s28+$0x20];
	v10 =	vmul.f32 v25, v10;
	v24 =	vpop (erf)  }
0x123: {  	v46 =	vld [tilespmem:s4+$0x20];
	v21 =	vmul.f32 v24, v21  }
0x124: {  	v34, _, _ =	vpop (xrf2);
	[tilespmem:s23+$0xD0] =	vst v10  }
0x125: {  	v10 =	vperm.xlane v34, v8;
	[tilespmem:s23+$0xE0] =	vst v21;
	v21 =	vunpack.i.u.bf16.f32 v32  }
0x126: {  	v20 =	vunpack.i.u.bf16.f32 v20;
	v47 =	vld [tilespmem:s28+$0xB0]  }
0x127: {  	v20 =	vmul.f32 v21, v20;
	v10 =	vmul.f32 v1, v10;
	v48 =	vld [tilespmem:s4+$0x70]  }
0x128: {  	v35 =	vunpack.i.l.bf16.f32 v11;
	v36 =	vunpack.i.l.bf16.f32 v46;
	v11 =	vunpack.i.u.bf16.f32 v11;
	v21, _, _ =	vpop (xrf2)  }
0x129: {  	(xrf2) =	vadd.scan.msk.f32 $0xffff, v20;
	v20 =	vunpack.i.u.bf16.f32 v46;
	v49 =	vmul.f32 v36, v35;
	v21 =	vperm.xlane v21, v8;
	v50, _, _ =	vpop (xrf2)  }
0x12a: {  	(xrf2) =	vadd.scan.msk.f32 $0xffff, v10;
	v10 =	vmul.f32 v20, v11;
	v11 =	vperm.xlane v50, v8  }
0x12b: {  	(xrf2) =	vadd.scan.msk.f32 $0xffff, v49;
	v20 =	vmul.f32 v1, v21  }
0x12c: {  	(xrf2) =	vadd.scan.msk.f32 $0xffff, v10;
	v10 =	vunpack.i.u.bf16.f32 v47;
	v21 =	vunpack.i.u.bf16.f32 v48;
	v11 =	vmul.f32 v1, v11  }
0x12d: {  	v10 =	vmul.f32 v21, v10;
	v21 =	vunpack.i.l.bf16.f32 v48;
	(xrf2) =	vadd.scan.msk.f32 $0xffff, v20;
	v20 =	vunpack.i.l.bf16.f32 v47  }
0x12e: {  	(xrf2) =	vadd.scan.msk.f32 $0xffff, v11;
	v11 =	vmul.f32 v21, v20  }
0x12f: {  	(xrf2) =	vadd.scan.msk.f32 $0xffff, v10  }
0x130: {  	(xrf2) =	vadd.scan.msk.f32 $0xffff, v11;
	_ =	sdelay $0x2  }
0x131: {  	v10, _, _ =	vpop (xrf2)  }
0x132: {  	v11, _, _ =	vpop (xrf2)  }
0x133: {  	v20, _, _ =	vpop (xrf2)  }
0x134: {  	s24 =	sadd.s32 $0x200, s28;
	v21, _, _ =	vpop (xrf2)  }
0x135: {  	v52 =	vld [tilespmem:s24+$0x80];
	s26 =	sadd.s32 $0x100, s4;
	v10 =	vperm.xlane v10, v8;
	v51, _, _ =	vpop (xrf2)  }
0x136: {  	v54 =	vld [tilespmem:s26+$0x40];
	v20 =	vperm.xlane v20, v8;
	v53, _, _ =	vpop (xrf2)  }
0x137: {  	v10 =	vmul.f32 v1, v10;
	v21 =	vperm.xlane v21, v8;
	v55, _, _ =	vpop (xrf2)  }
0x138: {  	v20 =	vmul.f32 v1, v20;
	v36 =	vperm.xlane v55, v8;
	v37, _, _ =	vpop (xrf2)  }
0x139: {  	(xrf2) =	vadd.scan.msk.f32 $0xffff, v10;
	v21 =	vmul.f32 v1, v21;
	v10 =	vperm.xlane v37, v8  }
0x13a: {  	(xrf2) =	vadd.scan.msk.f32 $0xffff, v20;
	v20 =	vmul.f32 v1, v36  }
0x13b: {  	v56 =	vunpack.i.l.bf16.f32 v54;
	(xrf2) =	vadd.scan.msk.f32 $0xffff, v21;
	v21 =	vunpack.i.l.bf16.f32 v52;
	v10 =	vmul.f32 v1, v10  }
0x13c: {  	v57 =	vunpack.i.u.bf16.f32 v54;
	v21 =	vmul.f32 v56, v21;
	(xrf2) =	vadd.scan.msk.f32 $0xffff, v20;
	v20 =	vunpack.i.u.bf16.f32 v52  }
0x13d: {  	(xrf2) =	vadd.scan.msk.f32 $0xffff, v10;
	v10 =	vmul.f32 v57, v20  }
0x13e: {  	(xrf2) =	vadd.scan.msk.f32 $0xffff, v21  }
0x13f: {  	(xrf2) =	vadd.scan.msk.f32 $0xffff, v10;
	_ =	sdelay $0x2  }
0x140: {  	v21 =	vld [tilespmem:s24+$0xFFFFFF00]  }
0x141: {  	v11 =	vmax.f32 v11, $-5.000000000e+00;
	v10 =	vld [tilespmem:s26+$0xFFFFFF80];
	v20, _, _ =	vpop (xrf2)  }
0x142: {  	v11 =	vmin.f32 v11, $5.000000000e+00;
	v58, _, _ =	vpop (xrf2)  }
0x143: {  	v11 =	vmul.f32 $1.442695020e+00, v11;
	v59, _, _ =	vpop (xrf2)  }
0x144: {  	v32 =	vmax.f32 v51, $-5.000000000e+00;
	v60, _, _ =	vpop (xrf2)  }
0x145: {  	(erf) = vpow2.f32 v11;
	v32 =	vmin.f32 v32, $5.000000000e+00;
	v61, _, _ =	vpop (xrf2)  }
0x146: {  	v39 =	vunpack.i.l.bf16.f32 v21;
	v38 =	vunpack.i.u.bf16.f32 v10;
	v10 =	vunpack.i.l.bf16.f32 v10;
	v40, _, _ =	vpop (xrf2)  }
0x147: {  	v21 =	vunpack.i.u.bf16.f32 v21;
	v10 =	vmul.f32 v10, v39;
	v62 =	vperm.xlane v40, v8;
	v63, _, _ =	vpop (xrf2)  }
0x148: {  	v34 =	vmax.f32 v53, $-5.000000000e+00;
	v21 =	vmul.f32 v38, v21;
	v43 =	vperm.xlane v63, v8  }
0x149: {  	v32 =	vmul.f32 $1.442695020e+00, v32;
	v34 =	vmin.f32 v34, $5.000000000e+00;
	(xrf2) =	vadd.scan.msk.f32 $0xffff, v10;
	v10 =	vmul.f32 v1, v62  }
0x14a: {  	v11 =	vmul.f32 $1.442695020e+00, v34;
	v20 =	vmax.f32 v20, $-5.000000000e+00;
	(xrf2) =	vadd.scan.msk.f32 $0xffff, v21;
	v21 =	vmul.f32 v1, v43  }
0x14b: {  	v44 =	vld [tilespmem:s26+$0xFFFFFFC0];
	(erf) = vpow2.f32 v32;
	v20 =	vmin.f32 v20, $5.000000000e+00;
	(xrf2) =	vadd.scan.msk.f32 $0xffff, v10  }
0x14c: {  	(erf) = vpow2.f32 v11;
	v11 =	vmax.f32 v58, $-5.000000000e+00;
	v10 =	vmul.f32 $1.442695020e+00, v20;
	v20 =	vld [tilespmem:s24+$0xFFFFFF80];
	(xrf2) =	vadd.scan.msk.f32 $0xffff, v21  }
0x14d: {  	v11 =	vmin.f32 v11, $5.000000000e+00;
	v21 =	vmax.f32 v61, $-5.000000000e+00  }
0x14e: {  	(erf) = vpow2.f32 v10;
	v10 =	vmax.f32 v59, $-5.000000000e+00;
	v21 =	vmin.f32 v21, $5.000000000e+00  }
0x14f: {  	v11 =	vmul.f32 $1.442695020e+00, v11;
	v10 =	vmin.f32 v10, $5.000000000e+00;
	v21 =	vmul.f32 $1.442695020e+00, v21  }
0x150: {  	v32 =	vunpack.i.l.bf16.f32 v44;
	v10 =	vmul.f32 $1.442695020e+00, v10  }
0x151: {  	(erf) = vpow2.f32 v11;
	v11 =	vld [tilespmem:s24+$0x0];
	v46 =	vunpack.i.u.bf16.f32 v20;
	v20 =	vunpack.i.l.bf16.f32 v20  }
0x152: {  	v45 =	vmax.f32 v60, $-5.000000000e+00;
	(erf) = vpow2.f32 v10;
	v20 =	vmul.f32 v32, v20  }
0x153: {  	v33 =	vmin.f32 v45, $5.000000000e+00;
	(erf) = vpow2.f32 v21;
	v21, _, _ =	vpop (xrf2)  }
0x154: {  	v33 =	vmul.f32 $1.442695020e+00, v33;
	v10 =	vld [tilespmem:s26+$0x0];
	v47, _, _ =	vpop (xrf2);
	(xrf2) =	vadd.scan.msk.f32 $0xffff, v20  }
0x155: {  	v52 =	vunpack.i.u.bf16.f32 v44;
	v53, _, _ =	vpop (xrf2)  }
0x156: {  	(erf) = vpow2.f32 v33;
	v54 =	vunpack.i.l.bf16.f32 v11;
	v55 =	vmax.f32 v53, $-5.000000000e+00;
	v56, _, _ =	vpop (xrf2)  }
0x157: {  	v33 =	vmul.f32 v52, v46;
	v32 =	vmin.f32 v55, $5.000000000e+00;
	v36 =	vmax.f32 v56, $-5.000000000e+00  }
0x158: {  	v60 =	vld [tilespmem:s28+$0xFFFFFF60];
	v11 =	vunpack.i.u.bf16.f32 v11;
	v20 =	vmul.f32 $1.442695020e+00, v32;
	v58 =	vmin.f32 v36, $5.000000000e+00  }
0x159: {  	v21 =	vperm.xlane v21, v8;
	v57 =	vunpack.i.l.bf16.f32 v10;
	v32 =	vmul.f32 $1.442695020e+00, v58  }
0x15a: {  	v48 =	vpop (erf);
	v10 =	vunpack.i.u.bf16.f32 v10;
	v59 =	vmul.f32 v57, v54;
	(erf) = vpow2.f32 v20  }
0x15b: {  	v38 =	vpop (erf);
	(xrf2) =	vadd.scan.msk.f32 $0xffff, v33;
	v10 =	vmul.f32 v10, v11;
	(erf) = vpow2.f32 v32  }
0x15c: {  	v37 =	vpop (erf);
	v11 =	vmul.f32 v1, v21;
	(xrf2) =	vadd.scan.msk.f32 $0xffff, v59  }
0x15d: {  	v21 =	vunpack.i.u.bf16.f32 v60;
	v20 =	vperm.xlane v47, v8;
	(xrf2) =	vadd.scan.msk.f32 $0xffff, v10;
	v32 =	vpop (erf)  }
0x15e: {  	v21 =	vmul.f32 v38, v21;
	v10 =	vld [tilespmem:s24+$0xC0];
	(xrf2) =	vadd.scan.msk.f32 $0xffff, v11;
	v11 =	vunpack.i.l.bf16.f32 v60;
	v62, _, _ =	vpop (xrf2)  }
0x15f: {  	v20 =	vmul.f32 v1, v20;
	v11 =	vmul.f32 v48, v11;
	v34 =	vpop (erf)  }
0x160: {  	v61 =	vld [tilespmem:s28+$0xFFFFFFE0];
	v35 =	vpop (erf)  }
0x161: {  	[tilespmem:s23+$0xFFFFFF30] =	vst v21;
	(xrf2) =	vadd.scan.msk.f32 $0xffff, v20;
	v33 =	vpop (erf)  }
0x162: {  	[tilespmem:s23+$0xFFFFFF20] =	vst v11;
	v36 =	vpop (erf)  }
0x163: {  	v21 =	vunpack.i.l.bf16.f32 v10;
	v41 =	vld [tilespmem:s28+$0xFFFFFF30];
	v11 =	vpop (erf)  }
0x164: {  	v42 =	vunpack.i.u.bf16.f32 v10;
	v45 =	vld [tilespmem:s4+$0xFFFFFFB0];
	v21 =	vmul.f32 v11, v21;
	v10 =	vpop (erf)  }
0x165: {  	s25 =	sadd.s32 $0x240, s23;
	v39 =	vunpack.i.l.bf16.f32 v61;
	v20 =	vld [tilespmem:s28+$0x60];
	v40 =	vperm.xlane v62, v8;
	v43, _, _ =	vpop (xrf2);
	v42 =	vmul.f32 v10, v42  }
0x166: {  	v44 =	vunpack.i.u.bf16.f32 v61;
	v39 =	vmul.f32 v37, v39;
	v43 =	vperm.xlane v43, v8;
	[tilespmem:s25+$0x90] =	vst v21  }
0x167: {  	v44 =	vmul.f32 v32, v44;
	v40 =	vmul.f32 v1, v40;
	v46, _, _ =	vpop (xrf2);
	[tilespmem:s25+$0xA0] =	vst v42  }
0x168: {  	[tilespmem:s23+$0xFFFFFFB0] =	vst v39;
	v63 =	vmul.f32 v1, v43;
	v47, _, _ =	vpop (xrf2);
	v52 =	vperm.xlane v46, v8;
	v49 =	vld [tilespmem:s24+$0x90]  }
0x169: {  	(xrf2) =	vadd.scan.msk.f32 $0xffff, v40;
	v50 =	vunpack.i.l.bf16.f32 v41;
	v56 =	vunpack.i.l.bf16.f32 v45;
	v53, _, _ =	vpop (xrf2);
	v47 =	vperm.xlane v47, v8;
	v55 =	vld [tilespmem:s26+$0x50]  }
0x16a: {  	(xrf2) =	vadd.scan.msk.f32 $0xffff, v63;
	v39 =	vmul.f32 v56, v50;
	v21 =	vunpack.i.u.bf16.f32 v20;
	v54 =	vmax.f32 v53, $-5.000000000e+00  }
0x16b: {  	v20 =	vunpack.i.l.bf16.f32 v20;
	v43 =	vmul.f32 v1, v52;
	v40 =	vmin.f32 v54, $5.000000000e+00;
	v57, _, _ =	vpop (xrf2)  }
0x16c: {  	[tilespmem:s23+$0xFFFFFFC0] =	vst v44;
	v20 =	vmul.f32 v34, v20;
	v47 =	vmul.f32 v1, v47;
	v42 =	vmax.f32 v57, $-5.000000000e+00  }
0x16d: {  	v21 =	vmul.f32 v35, v21;
	v40 =	vmul.f32 $1.442695020e+00, v40;
	(xrf2) =	vadd.scan.msk.f32 $0xffff, v43;
	v42 =	vmin.f32 v42, $5.000000000e+00  }
0x16e: {  	(xrf2) =	vadd.scan.msk.f32 $0xffff, v47;
	v42 =	vmul.f32 $1.442695020e+00, v42;
	v61 =	vunpack.i.u.bf16.f32 v49;
	v46 =	vunpack.i.u.bf16.f32 v55  }
0x16f: {  	v58 =	vld [tilespmem:s24+$0xFFFFFF40];
	[tilespmem:s23+$0x40] =	vst v20;
	v59 =	vunpack.i.l.bf16.f32 v49;
	v60 =	vunpack.i.l.bf16.f32 v55;
	v20 =	vmul.f32 v46, v61  }
0x170: {  	v50 =	vld [tilespmem:s28+$0xFFFFFFB0];
	(erf) = vpow2.f32 v40;
	v43 =	vmul.f32 v60, v59  }
0x171: {  	v51 =	vld [tilespmem:s4+$0xFFFFFFF0];
	(xrf2) =	vadd.scan.msk.f32 $0xffff, v39;
	(erf) = vpow2.f32 v42  }
0x172: {  	[tilespmem:s23+$0x50] =	vst v21;
	(xrf2) =	vadd.scan.msk.f32 $0xffff, v43  }
0x173: {  	v21 =	vunpack.i.u.bf16.f32 v41;
	v47 =	vunpack.i.u.bf16.f32 v45;
	v52 =	vld [tilespmem:s28+$0x30];
	(xrf2) =	vadd.scan.msk.f32 $0xffff, v20;
	v20, _, _ =	vpop (xrf2)  }
0x174: {  	v62 =	vunpack.i.u.bf16.f32 v58;
	v53 =	vld [tilespmem:s4+$0x30];
	v21 =	vmul.f32 v47, v21;
	v54, _, _ =	vpop (xrf2)  }
0x175: {  	v49 =	vunpack.i.l.bf16.f32 v50;
	v20 =	vmax.f32 v20, $-5.000000000e+00;
	v41 =	vmax.f32 v54, $-5.000000000e+00  }
0x176: {  	v55 =	vunpack.i.l.bf16.f32 v51;
	v20 =	vmin.f32 v20, $5.000000000e+00;
	v41 =	vmin.f32 v41, $5.000000000e+00  }
0x177: {  	v63 =	vunpack.i.l.bf16.f32 v58;
	v40 =	vmul.f32 v55, v49;
	v56, _, _ =	vpop (xrf2);
	v20 =	vmul.f32 $1.442695020e+00, v20  }
0x178: {  	v57 =	vunpack.i.l.bf16.f32 v52;
	v43 =	vmax.f32 v56, $-5.000000000e+00;
	v60, _, _ =	vpop (xrf2);
	v58 =	vmul.f32 $1.442695020e+00, v41  }
0x179: {  	v59 =	vunpack.i.l.bf16.f32 v53;
	(erf) = vpow2.f32 v20;
	v20 =	vmin.f32 v43, $5.000000000e+00;
	v41 =	vpop (erf)  }
0x17a: {  	v43 =	vmax.f32 v60, $-5.000000000e+00;
	(erf) = vpow2.f32 v58;
	v61 =	vmul.f32 v41, v63;
	v39 =	vpop (erf)  }
0x17b: {  	v49, _, _ =	vpop (xrf2);
	v20 =	vmul.f32 $1.442695020e+00, v20;
	v43 =	vmin.f32 v43, $5.000000000e+00;
	v42 =	vmul.f32 v39, v62  }
0x17c: {  	v44 =	vmul.f32 v59, v57;
	v43 =	vmul.f32 $1.442695020e+00, v43;
	v62, _, _ =	vpop (xrf2);
	[tilespmem:s25+$0xFFFFFEE0] =	vst v61  }
0x17d: {  	v63 =	vld [tilespmem:s24+$0xFFFFFFC0];
	(erf) = vpow2.f32 v20;
	v20 =	vperm.xlane v62, v8;
	v45, _, _ =	vpop (xrf2);
	[tilespmem:s25+$0xFFFFFEF0] =	vst v42  }
0x17e: {  	(xrf2) =	vadd.scan.msk.f32 $0xffff, v40;
	(erf) = vpow2.f32 v43;
	v47 =	vperm.xlane v45, v8;
	v54 =	vld [tilespmem:s24+$0xFFFFFF10]  }
0x17f: {  	(xrf2) =	vadd.scan.msk.f32 $0xffff, v44;
	v55 =	vld [tilespmem:s26+$0xFFFFFF90];
	v20 =	vmul.f32 v1, v20  }
0x180: {  	(xrf2) =	vadd.scan.msk.f32 $0xffff, v21;
	v21 =	vmul.f32 v1, v47  }
0x181: {  	v57 =	vld [tilespmem:s24+$0x40];
	(xrf2) =	vadd.scan.msk.f32 $0xffff, v20  }
0x182: {  	v20 =	vunpack.i.l.bf16.f32 v63;
	v45 =	vpop (erf);
	(xrf2) =	vadd.scan.msk.f32 $0xffff, v21  }
0x183: {  	v21 =	vunpack.i.u.bf16.f32 v63;
	v20 =	vmul.f32 v45, v20;
	v42 =	vpop (erf)  }
0x184: {  	v21 =	vmul.f32 v42, v21;
	v58 =	vunpack.i.l.bf16.f32 v54;
	v59 =	vunpack.i.l.bf16.f32 v55  }
0x185: {  	[tilespmem:s25+$0xFFFFFF70] =	vst v20;
	v20 =	vmul.f32 v59, v58  }
0x186: {  	v60 =	vunpack.i.l.bf16.f32 v57;
	v47 =	vpop (erf);
	[tilespmem:s25+$0xFFFFFF80] =	vst v21  }
0x187: {  	v21 =	vunpack.i.u.bf16.f32 v57;
	v61 =	vmul.f32 v47, v60;
	v46 =	vpop (erf);
	v56 =	vld [tilespmem:s24+$0xFFFFFF90];
	(xrf2) =	vadd.scan.msk.f32 $0xffff, v20  }
0x188: {  	v44, _, _ =	vpop (xrf2);
	v20 =	vmul.f32 v46, v21  }
0x189: {  	v43, _, _ =	vpop (xrf2);
	v21 =	vld [tilespmem:s26+$0xFFFFFFD0];
	[tilespmem:s25+$0x0] =	vst v61  }
0x18a: {  	v40, _, _ =	vpop (xrf2);
	[tilespmem:s25+$0x10] =	vst v20  }
0x18b: {  	v62 =	vunpack.i.u.bf16.f32 v55;
	v20 =	vunpack.i.u.bf16.f32 v54;
	v55 =	vld [tilespmem:s24+$0x10];
	v57, _, _ =	vpop (xrf2)  }
0x18c: {  	v20 =	vmul.f32 v62, v20;
	v58 =	vld [tilespmem:s26+$0x10];
	v54 =	vunpack.i.u.bf16.f32 v56;
	v57 =	vmax.f32 v57, $-5.000000000e+00;
	v59, _, _ =	vpop (xrf2)  }
0x18d: {  	v56 =	vunpack.i.l.bf16.f32 v56;
	v57 =	vmin.f32 v57, $5.000000000e+00;
	v59 =	vmax.f32 v59, $-5.000000000e+00  }
0x18e: {  	v60 =	vunpack.i.l.bf16.f32 v21;
	(xrf2) =	vadd.scan.msk.f32 $0xffff, v20;
	v20 =	vmul.f32 $1.442695020e+00, v57;
	v63 =	vmin.f32 v59, $5.000000000e+00  }
0x18f: {  	v21 =	vunpack.i.u.bf16.f32 v21;
	v56 =	vmul.f32 v60, v56;
	v57 =	vmul.f32 $1.442695020e+00, v63  }
0x190: {  	v21 =	vmul.f32 v21, v54;
	(erf) = vpow2.f32 v20  }
0x191: {  	v61 =	vunpack.i.l.bf16.f32 v58;
	v20 =	vunpack.i.l.bf16.f32 v55;
	v62, _, _ =	vpop (xrf2);
	(erf) = vpow2.f32 v57  }
0x192: {  	(xrf2) =	vadd.scan.msk.f32 $0xffff, v56;
	v20 =	vmul.f32 v61, v20;
	v59 =	vperm.xlane v62, v8  }
0x193: {  	v60 =	vunpack.i.u.bf16.f32 v55;
	v63 =	vunpack.i.u.bf16.f32 v58;
	(xrf2) =	vadd.scan.msk.f32 $0xffff, v21  }
0x194: {  	v54 =	vmul.f32 v63, v60;
	v60 =	vld [tilespmem:s24+$0xD0];
	(xrf2) =	vadd.scan.msk.f32 $0xffff, v20;
	v20 =	vmul.f32 v1, v59;
	_ =	sdelay $0x1  }
0x195: {  	(xrf2) =	vadd.scan.msk.f32 $0xffff, v54  }
0x196: {  	(xrf2) =	vadd.scan.msk.f32 $0xffff, v20  }
0x197: {  	v20, _, _ =	vpop (xrf2)  }
0x198: {  	v61 =	vunpack.i.l.bf16.f32 v60;
	v21 =	vpop (erf)  }
0x199: {  	v55 =	vunpack.i.u.bf16.f32 v60;
	v62 =	vperm.xlane v20, v8;
	v54 =	vmul.f32 v21, v61;
	v20 =	vpop (erf)  }
0x19a: {  	v55 =	vmul.f32 v20, v55;
	_ =	sdelay $0x1  }
0x19b: {  	v63, _, _ =	vpop (xrf2);
	v56 =	vmul.f32 v1, v62  }
0x19c: {  	v19 =	vmul.f32 v1, v19;
	[tilespmem:s25+$0xB0] =	vst v54;
	v54, _, _ =	vpop (xrf2)  }
0x19d: {  	[tilespmem:s25+$0xC0] =	vst v55;
	(xrf2) =	vadd.scan.msk.f32 $0xffff, v56;
	v55, _, _ =	vpop (xrf2)  }
0x19e: {  	v22 =	vmul.f32 v2, v22;
	v19 =	vadd.f32 $0.0e+00, v19;
	v56 =	vld [tilespmem:s24+$0xA0];
	v58, _, _ =	vpop (xrf2)  }
0x19f: {  	v57 =	vperm.xlane v63, v8;
	v59 =	vld [tilespmem:s26+$0x60];
	v60, _, _ =	vpop (xrf2)  }
0x1a0: {  	v23 =	vmul.f32 v1, v23;
	v19 =	vadd.f32 v22, v19;
	v60 =	vmax.f32 v60, $-5.000000000e+00  }
0x1a1: {  	v57 =	vmul.f32 v1, v57;
	v54 =	vperm.xlane v54, v8;
	v60 =	vmin.f32 v60, $5.000000000e+00  }
0x1a2: {  	v23 =	vadd.f32 $0.0e+00, v23;
	v55 =	vperm.xlane v55, v8;
	v60 =	vmul.f32 $1.442695020e+00, v60  }
0x1a3: {  	v16 =	vmul.f32 v2, v16;
	v54 =	vmul.f32 v1, v54;
	v61 =	vunpack.i.l.bf16.f32 v56  }
0x1a4: {  	(xrf2) =	vadd.scan.msk.f32 $0xffff, v57;
	v62 =	vunpack.i.l.bf16.f32 v59;
	(erf) = vpow2.f32 v60;
	v60 =	vmul.f32 v1, v55  }
0x1a5: {  	(xrf2) =	vadd.scan.msk.f32 $0xffff, v54;
	v22 =	vmul.f32 v62, v61;
	v61 =	vunpack.i.u.bf16.f32 v56;
	v62 =	vunpack.i.u.bf16.f32 v59  }
0x1a6: {  	v16 =	vadd.f32 v16, v23;
	v23 =	vmul.f32 v62, v61;
	(xrf2) =	vadd.scan.msk.f32 $0xffff, v60  }
0x1a7: {  	v13 =	vmul.f32 v1, v13;
	v12 =	vmul.f32 v2, v12;
	v63, _, _ =	vpop (xrf2);
	(xrf2) =	vadd.scan.msk.f32 $0xffff, v22  }
0x1a8: {  	(xrf2) =	vadd.scan.msk.f32 $0xffff, v23;
	v23 =	vmul.f32 v3, v28;
	v28 =	vperm.xlane v58, v8  }
0x1a9: {  	v13 =	vadd.f32 $0.0e+00, v13;
	v17 =	vmul.f32 v1, v17;
	v22 =	vmul.f32 v3, v26  }
0x1aa: {  	v26 =	vmul.f32 v4, v27;
	v27 =	vmax.f32 v63, $-5.000000000e+00;
	v28 =	vmul.f32 v1, v28  }
0x1ab: {  	v18 =	vmul.f32 v2, v18;
	v17 =	vadd.f32 $0.0e+00, v17;
	v27 =	vmin.f32 v27, $5.000000000e+00  }
0x1ac: {  	v12 =	vadd.f32 v12, v13;
	v15 =	vmul.f32 v3, v15;
	v27 =	vmul.f32 $1.442695020e+00, v27  }
0x1ad: {  	v17 =	vadd.f32 v18, v17;
	v19 =	vadd.f32 v22, v19  }
0x1ae: {  	v14 =	vmul.f32 v4, v14;
	v12 =	vadd.f32 v15, v12;
	(erf) = vpow2.f32 v27;
	(xrf2) =	vadd.scan.msk.f32 $0xffff, v28;
	v28, _, _ =	vpop (xrf2)  }
0x1af: {  	v18 =	vadd.f32 v26, v19;
	v26 =	vmul.f32 v4, v30;
	v19 =	vunpack.i.u.bf16.f32 v50;
	v55, _, _ =	vpop (xrf2)  }
0x1b0: {  	v30 =	vunpack.i.u.bf16.f32 v51;
	v28 =	vmax.f32 v28, $-5.000000000e+00;
	v50 =	vmax.f32 v55, $-5.000000000e+00  }
0x1b1: {  	v19 =	vmul.f32 v30, v19;
	v28 =	vmin.f32 v28, $5.000000000e+00;
	v30 =	vmin.f32 v50, $5.000000000e+00  }
0x1b2: {  	v12 =	vadd.f32 v14, v12;
	v54 =	vld [tilespmem:s24+$0xFFFFFF50];
	v28 =	vmul.f32 $1.442695020e+00, v28  }
0x1b3: {  	v29 =	vmul.f32 v4, v29;
	v23 =	vadd.f32 v23, v16;
	v57, _, _ =	vpop (xrf2);
	v16 =	vmul.f32 $1.442695020e+00, v30  }
0x1b4: {  	v14 =	vmul.f32 v5, v25;
	v56 =	vunpack.i.u.bf16.f32 v53;
	v22 =	vmul.f32 v3, v31;
	v30, _, _ =	vpop (xrf2)  }
0x1b5: {  	v31 =	vunpack.i.u.bf16.f32 v52;
	(erf) = vpow2.f32 v28;
	v13 =	vperm.xlane v30, v8  }
0x1b6: {  	v31 =	vmul.f32 v56, v31;
	(erf) = vpow2.f32 v16;
	v28, _, _ =	vpop (xrf2)  }
0x1b7: {  	v30 =	vunpack.i.l.bf16.f32 v54;
	v16 =	vpop (erf);
	v28 =	vperm.xlane v28, v8;
	v13 =	vmul.f32 v1, v13  }
0x1b8: {  	v27 =	vmul.f32 v5, v48;
	v48 =	vunpack.i.u.bf16.f32 v54;
	(xrf2) =	vadd.scan.msk.f32 $0xffff, v19;
	v30 =	vmul.f32 v16, v30;
	v19 =	vpop (erf)  }
0x1b9: {  	(xrf2) =	vadd.scan.msk.f32 $0xffff, v31;
	v48 =	vmul.f32 v19, v48;
	v28 =	vmul.f32 v1, v28  }
0x1ba: {  	v38 =	vmul.f32 v6, v38;
	v17 =	vadd.f32 v22, v17;
	[tilespmem:s25+$0xFFFFFF00] =	vst v30;
	(xrf2) =	vadd.scan.msk.f32 $0xffff, v13  }
0x1bb: {  	v43 =	vperm.xlane v43, v8;
	v50 =	vmax.f32 v57, $-5.000000000e+00;
	v30 =	vld [tilespmem:s24+$0xFFFFFFD0];
	[tilespmem:s25+$0xFFFFFF10] =	vst v48;
	v13, _, _ =	vpop (xrf2);
	(xrf2) =	vadd.scan.msk.f32 $0xffff, v28  }
0x1bc: {  	v22 =	vperm.xlane v49, v8;
	v17 =	vadd.f32 v26, v17;
	v31 =	vmin.f32 v50, $5.000000000e+00;
	v15 =	vld [tilespmem:s24+$0xFFFFFF20]  }
0x1bd: {  	v31 =	vmul.f32 $1.442695020e+00, v31;
	v28 =	vadd.f32 v29, v23;
	v23 =	vld [tilespmem:s26+$0xFFFFFFA0];
	v13 =	vmax.f32 v13, $-5.000000000e+00  }
0x1be: {  	v26 =	vmul.f32 v5, v37;
	v55 =	vmul.f32 v6, v35;
	v13 =	vmin.f32 v13, $5.000000000e+00  }
0x1bf: {  	v12 =	vadd.f32 v14, v12;
	v25 =	vld [tilespmem:s24+$0x50];
	(erf) = vpow2.f32 v31;
	v13 =	vmul.f32 $1.442695020e+00, v13  }
0x1c0: {  	v31 =	vmul.f32 v1, v22;
	v29 =	vpop (erf);
	v14 =	vunpack.i.l.bf16.f32 v30;
	v22 =	vunpack.i.u.bf16.f32 v30  }
0x1c1: {  	v30 =	vpop (erf);
	v14 =	vmul.f32 v29, v14;
	(erf) = vpow2.f32 v13  }
0x1c2: {  	v13 =	vmul.f32 v6, v24;
	v24, _, _ =	vpop (xrf2);
	v59 =	vunpack.i.l.bf16.f32 v15;
	v60 =	vunpack.i.l.bf16.f32 v23  }
0x1c3: {  	v58 =	vmul.f32 v30, v22;
	[tilespmem:s25+$0xFFFFFF90] =	vst v14;
	v22, _, _ =	vpop (xrf2);
	v14 =	vmul.f32 v60, v59  }
0x1c4: {  	v61 =	vunpack.i.l.bf16.f32 v25;
	v16 =	vmul.f32 v3, v16;
	v19 =	vmul.f32 v4, v19;
	(xrf2) =	vadd.scan.msk.f32 $0xffff, v31;
	v31, _, _ =	vpop (xrf2)  }
0x1c5: {  	v15 =	vunpack.i.u.bf16.f32 v15;
	v23 =	vunpack.i.u.bf16.f32 v23;
	(xrf2) =	vadd.scan.msk.f32 $0xffff, v14;
	v14 =	vmax.f32 v31, $-5.000000000e+00;
	v31, _, _ =	vpop (xrf2)  }
0x1c6: {  	[tilespmem:s25+$0xFFFFFFA0] =	vst v58;
	v12 =	vadd.f32 v13, v12;
	v14 =	vmin.f32 v14, $5.000000000e+00;
	v31 =	vmax.f32 v31, $-5.000000000e+00  }
0x1c7: {  	v13 =	vmul.f32 v7, v33;
	v62 =	vld [tilespmem:s24+$0xFFFFFFA0];
	v14 =	vmul.f32 $1.442695020e+00, v14;
	v54 =	vmin.f32 v31, $5.000000000e+00  }
0x1c8: {  	v18 =	vadd.f32 v27, v18;
	v15 =	vmul.f32 v23, v15;
	v63 =	vld [tilespmem:s26+$0xFFFFFFE0];
	v23 =	vmul.f32 $1.442695020e+00, v54  }
0x1c9: {  	v37 =	vpop (erf);
	v12 =	vadd.f32 v13, v12;
	v13 =	vmul.f32 v9, v36;
	(erf) = vpow2.f32 v14  }
0x1ca: {  	v25 =	vunpack.i.u.bf16.f32 v25;
	v48 =	vmul.f32 v37, v61;
	v14 =	vld [tilespmem:s28+$0xF0];
	(erf) = vpow2.f32 v23  }
0x1cb: {  	v31 =	vpop (erf);
	v23 =	vadd.f32 v38, v18;
	v38 =	vadd.f32 v13, v12;
	v12 =	vmul.f32 v5, v34  }
0x1cc: {  	v29 =	vmul.f32 v3, v29;
	(xrf2) =	vadd.scan.msk.f32 $0xffff, v15;
	v25 =	vmul.f32 v31, v25  }
0x1cd: {  	[tilespmem:s25+$0x20] =	vst v48;
	v27 =	vunpack.i.l.bf16.f32 v62;
	v15 =	vunpack.i.l.bf16.f32 v63;
	v18 =	vadd.f32 v26, v28;
	v26 =	vld [tilespmem:s24+$0xE0]  }
0x1ce: {  	v15 =	vmul.f32 v15, v27;
	v13 =	vmul.f32 v6, v32;
	v34, _, _ =	vpop (xrf2);
	[tilespmem:s25+$0x30] =	vst v25  }
0x1cf: {  	v17 =	vadd.f32 v12, v17;
	v25 =	vld [tilespmem:s24+$0x20];
	v27 =	vunpack.i.u.bf16.f32 v14;
	v14 =	vunpack.i.l.bf16.f32 v14;
	v12, _, _ =	vpop (xrf2)  }
0x1d0: {  	(xrf2) =	vadd.scan.msk.f32 $0xffff, v15;
	v15 =	vld [tilespmem:s26+$0x20];
	v35 =	vmul.f32 v33, v14;
	v28 =	vperm.xlane v12, v8  }
0x1d1: {  	v36 =	vmul.f32 v36, v27;
	v14 =	vunpack.i.u.bf16.f32 v62;
	v27 =	vunpack.i.u.bf16.f32 v63  }
0x1d2: {  	v12 =	vadd.f32 v13, v18;
	v13 =	vmul.f32 v27, v14;
	v27 =	vunpack.i.l.bf16.f32 v26  }
0x1d3: {  	v30 =	vmul.f32 v4, v30;
	v60 =	vmul.f32 v2, v39  }
0x1d4: {  	v18 =	vmul.f32 v1, v41;
	v26 =	vunpack.i.u.bf16.f32 v26;
	v14 =	vmul.f32 v1, v28;
	v28 =	vpop (erf)  }
0x1d5: {  	v57 =	vunpack.i.l.bf16.f32 v25;
	v58 =	vunpack.i.l.bf16.f32 v15;
	v59 =	vmul.f32 v28, v27;
	v27 =	vpop (erf)  }
0x1d6: {  	v61, _, _ =	vpop (xrf2);
	(xrf2) =	vadd.scan.msk.f32 $0xffff, v13;
	v13 =	vadd.f32 v55, v17;
	v17 =	vmul.f32 v58, v57;
	v26 =	vmul.f32 v27, v26  }
0x1d7: {  	v39 =	vperm.xlane v61, v8;
	v18 =	vadd.f32 $0.0e+00, v18;
	(xrf2) =	vadd.scan.msk.f32 $0xffff, v14;
	[tilespmem:s25+$0xD0] =	vst v59  }
0x1d8: {  	v25 =	vunpack.i.u.bf16.f32 v25;
	v15 =	vunpack.i.u.bf16.f32 v15;
	(xrf2) =	vadd.scan.msk.f32 $0xffff, v17;
	[tilespmem:s25+$0xE0] =	vst v26  }
0x1d9: {  	v62 =	vmul.f32 v1, v45;
	v15 =	vmul.f32 v15, v25;
	v63 =	vld [tilespmem:s24+$0xB0]  }
0x1da: {  	v51 =	vmul.f32 v1, v39;
	v18 =	vadd.f32 v60, v18;
	v25 =	vmul.f32 v1, v47;
	v52, _, _ =	vpop (xrf2);
	v53 =	vld [tilespmem:s26+$0x70]  }
0x1db: {  	v54 =	vmul.f32 v2, v42;
	v17 =	vadd.f32 $0.0e+00, v62;
	v39 =	vperm.xlane v52, v8;
	(xrf2) =	vadd.scan.msk.f32 $0xffff, v15  }
0x1dc: {  	v55 =	vmul.f32 v2, v46;
	v25 =	vadd.f32 $0.0e+00, v25;
	v57 =	vadd.f32 v16, v18;
	v26 =	vld [tilespmem:s28+$0xFFFFFFF0];
	(xrf2) =	vadd.scan.msk.f32 $0xffff, v51  }
0x1dd: {  	v16 =	vmax.f32 v34, $-5.000000000e+00;
	v32 =	vadd.f32 v54, v17;
	v17 =	vmul.f32 v1, v39  }
0x1de: {  	v37 =	vmul.f32 v3, v37;
	v16 =	vmin.f32 v16, $5.000000000e+00;
	v39 =	vadd.f32 v55, v25  }
0x1df: {  	v16 =	vmul.f32 $1.442695020e+00, v16;
	(xrf2) =	vadd.scan.msk.f32 $0xffff, v17;
	v18 =	vunpack.i.u.bf16.f32 v63;
	v25 =	vunpack.i.u.bf16.f32 v53  }
0x1e0: {  	v24 =	vperm.xlane v24, v8;
	v58, _, _ =	vpop (xrf2);
	v18 =	vmul.f32 v25, v18  }
0x1e1: {  	v56 =	vld [tilespmem:s28+$0xFFFFFF70];
	(erf) = vpow2.f32 v16;
	v15 =	vunpack.i.u.bf16.f32 v26;
	v17 =	vunpack.i.l.bf16.f32 v26;
	v60, _, _ =	vpop (xrf2)  }
0x1e2: {  	v34 =	vperm.xlane v58, v8;
	v63 =	vunpack.i.l.bf16.f32 v63;
	v49 =	vunpack.i.l.bf16.f32 v53;
	v62, _, _ =	vpop (xrf2);
	(xrf2) =	vadd.scan.msk.f32 $0xffff, v18  }
0x1e3: {  	v25 =	vmul.f32 v1, v43;
	v61 =	vmax.f32 v60, $-5.000000000e+00;
	v43 =	vmul.f32 v49, v63  }
0x1e4: {  	v26 =	vperm.xlane v40, v8;
	v34 =	vmul.f32 v1, v34;
	v16 =	vmin.f32 v61, $5.000000000e+00  }
0x1e5: {  	v33 =	vmul.f32 $1.442695020e+00, v16;
	v50, _, _ =	vpop (xrf2);
	v40 =	vperm.xlane v62, v8;
	(xrf2) =	vadd.scan.msk.f32 $0xffff, v43  }
0x1e6: {  	v41 =	vunpack.i.l.bf16.f32 v56;
	v14 =	vunpack.i.u.bf16.f32 v56;
	v56 =	vperm.xlane v44, v8;
	v59 =	vld [tilespmem:s28+$0x70];
	v51, _, _ =	vpop (xrf2)  }
0x1e7: {  	(erf) = vpow2.f32 v33;
	v33 =	vmax.f32 v51, $-5.000000000e+00;
	(xrf2) =	vadd.scan.msk.f32 $0xffff, v34;
	v53 =	vmul.f32 v1, v40  }
0x1e8: {  	v22 =	vperm.xlane v22, v8;
	v19 =	vadd.f32 v19, v57;
	v57 =	vld [tilespmem:s24+$0x60];
	v33 =	vmin.f32 v33, $5.000000000e+00  }
0x1e9: {  	v48 =	vmul.f32 v1, v56;
	v52 =	vld [tilespmem:s24+$0xFFFFFF60];
	v29 =	vadd.f32 v29, v32;
	v54, _, _ =	vpop (xrf2);
	v33 =	vmul.f32 $1.442695020e+00, v33;
	(xrf2) =	vadd.scan.msk.f32 $0xffff, v53  }
0x1ea: {  	v37 =	vadd.f32 v37, v39;
	v55 =	vperm.xlane v50, v8;
	v40 =	vmax.f32 v54, $-5.000000000e+00  }
0x1eb: {  	v16 =	vunpack.i.u.bf16.f32 v59;
	v40 =	vmin.f32 v40, $5.000000000e+00;
	(erf) = vpow2.f32 v33  }
0x1ec: {  	v56 =	vld [tilespmem:s24+$0xFFFFFFE0];
	v18 =	vunpack.i.l.bf16.f32 v59;
	v58 =	vmul.f32 v1, v55;
	v59 =	vmul.f32 $1.442695020e+00, v40;
	v63, _, _ =	vpop (xrf2)  }
0x1ed: {  	[tilespmem:s23+$0xF0] =	vst v35;
	v32 =	vmul.f32 v1, v22;
	v35 =	vunpack.i.l.bf16.f32 v57;
	v53 =	vperm.xlane v63, v8  }
0x1ee: {  	v60 =	vunpack.i.u.bf16.f32 v52;
	v61 =	vunpack.i.l.bf16.f32 v52;
	(xrf2) =	vadd.scan.msk.f32 $0xffff, v58;
	(erf) = vpow2.f32 v59  }
0x1ef: {  	v62 =	vmul.f32 v4, v31;
	v33 =	vunpack.i.u.bf16.f32 v57;
	v52, _, _ =	vpop (xrf2);
	v57 =	vmul.f32 v1, v53  }
0x1f0: {  	v30 =	vadd.f32 v30, v29;
	v26 =	vmul.f32 v1, v26;
	v49 =	vpop (erf);
	v39 =	vperm.xlane v52, v8  }
0x1f1: {  	v31 =	vunpack.i.u.bf16.f32 v56;
	v34 =	vmul.f32 v1, v24;
	v24 =	vunpack.i.l.bf16.f32 v56;
	v54, _, _ =	vpop (xrf2);
	(xrf2) =	vadd.scan.msk.f32 $0xffff, v57  }
0x1f2: {  	v22 =	vadd.f32 v62, v37;
	v50 =	vmul.f32 v7, v49;
	v29 =	vpop (erf);
	v39 =	vmul.f32 v1, v39  }
0x1f3: {  	[tilespmem:s23+$0x110] =	vst v38;
	v51 =	vmul.f32 v49, v41;
	v55 =	vmul.f32 v29, v61;
	v56 =	vmax.f32 v54, $-5.000000000e+00;
	v62, _, _ =	vpop (xrf2)  }
0x1f4: {  	v29 =	vmul.f32 v5, v29;
	v58 =	vmin.f32 v56, $5.000000000e+00;
	v59 =	vpop (erf);
	v37 =	vmax.f32 v62, $-5.000000000e+00;
	(xrf2) =	vadd.scan.msk.f32 $0xffff, v39  }
0x1f5: {  	[tilespmem:s23+$0x100] =	vst v36;
	v61 =	vmul.f32 $1.442695020e+00, v58;
	v60 =	vmul.f32 v59, v60  }
0x1f6: {  	v23 =	vadd.f32 v50, v23;
	[tilespmem:s25+$0xFFFFFF20] =	vst v55;
	v19 =	vadd.f32 v29, v19;
	v29 =	vmul.f32 v6, v59  }
0x1f7: {  	s29 =	sadd.s32 $0x200, s24;
	v63 =	vmin.f32 v37, $5.000000000e+00;
	(erf) = vpow2.f32 v61;
	(xrf2) =	vadd.scan.msk.f32 $0xffff, v48;
	[tilespmem:s25+$0xFFFFFF30] =	vst v60;
	v37 =	vpop (erf)  }
0x1f8: {  	s8 =	smov.u32 s26;
	s4 =	simm.s32 $0x4;
	s28 =	smov.u32 s25;
	[tilespmem:s23+$0xFFFFFF40] =	vst v51;
	v36, _, _ =	vpop (xrf2);
	v19 =	vadd.f32 v29, v19;
	v29 =	vmul.f32 $1.442695020e+00, v63;
	v39 =	vld [tilespmem:s24+$0xFFFFFF30];
	v24 =	vmul.f32 v37, v24  }
.LBB2_6:
0x1f9: {  	v38 =	vld [tilespmem:s29+$0x80];
	v37 =	vmul.f32 v5, v37;
	v36 =	vmax.f32 v36, $-5.000000000e+00;
	s26 =	sadd.s32 $0x100, s26  }
0x1fa: {  	v40 =	vld [tilespmem:s26+$0x40];
	[tilespmem:s25+$0xFFFFFFB0] =	vst v24;
	v24 =	vmin.f32 v36, $5.000000000e+00;
	(erf) = vpow2.f32 v29;
	(xrf2) =	vadd.scan.msk.f32 $0xffff, v25  }
0x1fb: {  	v25 =	vld [tilespmem:s26+$0xFFFFFF80];
	v36 =	vadd.f32 v37, v30;
	v37 =	vmul.f32 $1.442695020e+00, v24;
	v29, _, _ =	vpop (xrf2)  }
0x1fc: {  	v30 =	vld [tilespmem:s29+$0xFFFFFF80]  }
0x1fd: {  	v41 =	vld [tilespmem:s26+$0xFFFFFFC0];
	v42 =	vunpack.i.u.bf16.f32 v39;
	v43 =	vunpack.i.l.bf16.f32 v39;
	(erf) = vpow2.f32 v37;
	(xrf2) =	vadd.scan.msk.f32 $0xffff, v26  }
0x1fe: {  	v26 =	vld [tilespmem:s29+$0x0];
	v24, _, _ =	vpop (xrf2)  }
0x1ff: {  	v47 =	vunpack.i.l.bf16.f32 v38;
	v39 =	vld [tilespmem:s26+$0x0];
	v44 =	vunpack.i.l.bf16.f32 v40;
	v24 =	vmax.f32 v24, $-5.000000000e+00  }
0x200: {  	v38 =	vunpack.i.u.bf16.f32 v38;
	v45 =	vld [tilespmem:s29+$0xFFFFFF00];
	v44 =	vmul.f32 v44, v47;
	v24 =	vmin.f32 v24, $5.000000000e+00;
	v37 =	vpop (erf);
	(xrf2) =	vadd.scan.msk.f32 $0xffff, v34  }
0x201: {  	v11 =	vmul.f32 v1, v11;
	v29 =	vmax.f32 v29, $-5.000000000e+00;
	v34 =	vld [tilespmem:s29+$0xFFFFFF40];
	v24 =	vmul.f32 $1.442695020e+00, v24;
	v46, _, _ =	vpop (xrf2)  }
0x202: {  	v48 =	vmul.f32 v2, v10;
	v51 =	vmin.f32 v29, $5.000000000e+00;
	v40 =	vunpack.i.u.bf16.f32 v40;
	v47 =	vld [tilespmem:s29+$0xFFFFFFC0]  }
0x203: {  	v52 =	vadd.f32 $0.0e+00, v11;
	v29 =	vmul.f32 $1.442695020e+00, v51;
	v49 =	vld [tilespmem:s29+$0x40];
	(xrf2) =	vadd.scan.msk.f32 $0xffff, v44;
	v10 =	vpop (erf);
	(erf) = vpow2.f32 v24  }
0x204: {  	v38 =	vmul.f32 v40, v38;
	v44 =	vunpack.i.u.bf16.f32 v25;
	v25 =	vunpack.i.l.bf16.f32 v25;
	v40 =	vld [tilespmem:s8+$0xFFFFFFB0];
	v50, _, _ =	vpop (xrf2)  }
0x205: {  	v21 =	vmul.f32 v3, v21;
	v52 =	vadd.f32 v48, v52;
	v24 =	vld [tilespmem:s24+$0xFFFFFF70];
	(erf) = vpow2.f32 v29  }
0x206: {  	v51 =	vunpack.i.u.bf16.f32 v30;
	v29 =	vunpack.i.u.bf16.f32 v45;
	v45 =	vunpack.i.l.bf16.f32 v45;
	(xrf2) =	vadd.scan.msk.f32 $0xffff, v38;
	v11 =	vpop (erf)  }
0x207: {  	v20 =	vmul.f32 v4, v20;
	v21 =	vadd.f32 v21, v52;
	v30 =	vunpack.i.l.bf16.f32 v30;
	v48, _, _ =	vpop (xrf2)  }
0x208: {  	v52 =	vunpack.i.u.bf16.f32 v26;
	v38 =	vunpack.i.u.bf16.f32 v41;
	v41 =	vunpack.i.l.bf16.f32 v41  }
0x209: {  	v20 =	vadd.f32 v20, v21;
	v21 =	vmul.f32 v5, v28;
	v53 =	vunpack.i.l.bf16.f32 v26;
	(xrf2) =	vadd.scan.msk.f32 $0xffff, v32  }
0x20a: {  	s4 =	sadd.s32 $0x4, s4;
	v28 =	vunpack.i.u.bf16.f32 v39;
	v54 =	vmul.f32 v25, v45;
	v32 =	vunpack.i.l.bf16.f32 v39;
	v45, _, _ =	vpop (xrf2)  }
0x20b: {  	p0 =	slt.u32 s4, $0x24;
	v20 =	vadd.f32 v21, v20;
	v21 =	vmul.f32 v6, v27;
	v29 =	vmul.f32 v44, v29  }
0x20c: {  	v26 =	vunpack.i.u.bf16.f32 v34;
	v27 =	vmul.f32 v41, v30;
	v41 =	vmul.f32 v38, v51;
	(xrf2) =	vadd.scan.msk.f32 $0xffff, v54;
	v38 =	vpop (erf)  }
0x20d: {  	v20 =	vadd.f32 v21, v20;
	v44 =	vmul.f32 v32, v53;
	v25, _, _ =	vpop (xrf2);
	v21 =	vmul.f32 v7, v38  }
0x20e: {  	v51 =	vmul.f32 v28, v52;
	v32 =	vunpack.i.l.bf16.f32 v34;
	v28 =	vperm.xlane v25, v8;
	v39 =	vpop (erf)  }
0x20f: {  	v25 =	vunpack.i.u.bf16.f32 v47;
	(xrf2) =	vadd.scan.msk.f32 $0xffff, v29;
	v30 =	vadd.f32 v21, v20;
	v34 =	vmul.f32 v9, v39  }
0x210: {  	v29 =	vunpack.i.l.bf16.f32 v47;
	v20 =	vunpack.i.u.bf16.f32 v49;
	v28 =	vmul.f32 v1, v28;
	v47, _, _ =	vpop (xrf2)  }
0x211: {  	v21 =	vunpack.i.l.bf16.f32 v49;
	v47 =	vperm.xlane v47, v8;
	v30 =	vadd.f32 v34, v30  }
0x212: {  	v31 =	vmul.f32 v37, v31;
	v35 =	vmul.f32 v10, v35;
	(xrf2) =	vadd.scan.msk.f32 $0xffff, v28;
	v28 =	vunpack.i.l.bf16.f32 v40  }
0x213: {  	v33 =	vmul.f32 v11, v33;
	v40 =	vunpack.i.u.bf16.f32 v40;
	v47 =	vmul.f32 v1, v47;
	v49 =	vld [tilespmem:s24+$0xF0];
	[tilespmem:s25+$0x110] =	vst v30;
	v52, _, _ =	vpop (xrf2)  }
0x214: {  	v34 =	vmul.f32 v28, v43;
	v30 =	vmul.f32 v40, v42;
	v28 =	vmax.f32 v46, $-5.000000000e+00;
	[tilespmem:s25+$0xFFFFFFC0] =	vst v31  }
0x215: {  	v28 =	vmin.f32 v28, $5.000000000e+00;
	(xrf2) =	vadd.scan.msk.f32 $0xffff, v47;
	v31 =	vld [tilespmem:s24+$0xFFFFFFB0];
	[tilespmem:s25+$0x40] =	vst v35;
	v35 =	vmax.f32 v50, $-5.000000000e+00  }
0x216: {  	v28 =	vmul.f32 $1.442695020e+00, v28;
	v40, _, _ =	vpop (xrf2);
	v42 =	vld [tilespmem:s8+$0xFFFFFFF0];
	[tilespmem:s25+$0x50] =	vst v33;
	v33 =	vmax.f32 v48, $-5.000000000e+00;
	v35 =	vmin.f32 v35, $5.000000000e+00  }
0x217: {  	v45 =	vmax.f32 v45, $-5.000000000e+00;
	v40 =	vperm.xlane v40, v8;
	v43 =	vld [tilespmem:s24+$0x30];
	v35 =	vmul.f32 $1.442695020e+00, v35  }
0x218: {  	v45 =	vmin.f32 v45, $5.000000000e+00;
	v46 =	vmax.f32 v52, $-5.000000000e+00;
	v33 =	vmin.f32 v33, $5.000000000e+00;
	(xrf2) =	vadd.scan.msk.f32 $0xffff, v27;
	v27 =	vld [tilespmem:s8+$0x30];
	s8 =	smov.u32 s26  }
0x219: {  	v46 =	vmin.f32 v46, $5.000000000e+00;
	v50 =	vmul.f32 $1.442695020e+00, v33;
	v40 =	vmul.f32 v1, v40;
	v47, _, _ =	vpop (xrf2);
	v48 =	vld [tilespmem:s24+$0xFFFFFFF0]  }
0x21a: {  	v33 =	vperm.xlane v47, v8;
	v47 =	vunpack.i.u.bf16.f32 v31;
	v31 =	vunpack.i.l.bf16.f32 v31;
	v52 =	vld [tilespmem:s24+$0x70];
	s24 =	smov.u32 s29  }
0x21b: {  	(xrf2) =	vadd.scan.msk.f32 $0xffff, v41;
	v41 =	vunpack.i.u.bf16.f32 v42;
	v42 =	vunpack.i.l.bf16.f32 v42;
	(erf) = vpow2.f32 v28  }
0x21c: {  	v53 =	vmul.f32 v1, v33;
	v54, _, _ =	vpop (xrf2);
	v33 =	vmul.f32 v42, v31;
	v31 =	vunpack.i.l.bf16.f32 v43  }
0x21d: {  	v42 =	vunpack.i.u.bf16.f32 v43;
	v43 =	vunpack.i.u.bf16.f32 v27;
	v27 =	vunpack.i.l.bf16.f32 v27  }
0x21e: {  	v28 =	vmul.f32 v41, v47;
	(xrf2) =	vadd.scan.msk.f32 $0xffff, v44;
	v44 =	vunpack.i.u.bf16.f32 v24;
	v31 =	vmul.f32 v27, v31  }
0x21f: {  	v41 =	vmax.f32 v54, $-5.000000000e+00;
	v27 =	vmul.f32 v43, v42;
	v42 =	vmul.f32 $1.442695020e+00, v45;
	v47, _, _ =	vpop (xrf2)  }
0x220: {  	v41 =	vmin.f32 v41, $5.000000000e+00;
	v43 =	vmax.f32 v47, $-5.000000000e+00;
	(erf) = vpow2.f32 v35  }
0x221: {  	v35 =	vmul.f32 $1.442695020e+00, v41;
	v41 =	vmin.f32 v43, $5.000000000e+00;
	(xrf2) =	vadd.scan.msk.f32 $0xffff, v51;
	v43 =	vmul.f32 $1.442695020e+00, v46  }
0x222: {  	v10 =	vmul.f32 v5, v10;
	v24 =	vunpack.i.l.bf16.f32 v24;
	v46 =	vmul.f32 $1.442695020e+00, v41;
	v45, _, _ =	vpop (xrf2)  }
0x223: {  	v45 =	vperm.xlane v45, v8;
	(erf) = vpow2.f32 v35;
	v35 =	vunpack.i.u.bf16.f32 v48  }
0x224: {  	v37 =	vmul.f32 v6, v37;
	v10 =	vadd.f32 v10, v22;
	(xrf2) =	vadd.scan.msk.f32 $0xffff, v40;
	(erf) = vpow2.f32 v46;
	v22 =	vpop (erf)  }
0x225: {  	v47 =	vmul.f32 v6, v11;
	v40 =	vmul.f32 v1, v45;
	v41, _, _ =	vpop (xrf2);
	v45 =	vunpack.i.l.bf16.f32 v48  }
0x226: {  	v36 =	vadd.f32 v37, v36;
	v41 =	vperm.xlane v41, v8;
	(erf) = vpow2.f32 v50  }
0x227: {  	v46 =	vadd.f32 v47, v10;
	v10 =	vmul.f32 v7, v22;
	v37 =	vld [tilespmem:s29+$0xC0];
	(xrf2) =	vadd.scan.msk.f32 $0xffff, v53;
	(erf) = vpow2.f32 v42  }
0x228: {  	v47 =	vunpack.i.l.bf16.f32 v52;
	v42 =	vunpack.i.u.bf16.f32 v52;
	v41 =	vmul.f32 v1, v41;
	v11, _, _ =	vpop (xrf2)  }
0x229: {  	v48 =	vadd.f32 v10, v12;
	v51 =	vperm.xlane v11, v8;
	v50 =	vpop (erf);
	(erf) = vpow2.f32 v43  }
0x22a: {  	v12 =	vmovc v36;
	v43 =	vunpack.i.l.bf16.f32 v49;
	(xrf2) =	vadd.scan.msk.f32 $0xffff, v40;
	v40 =	vunpack.i.u.bf16.f32 v49;
	v52 =	vmul.f32 v7, v50  }
0x22b: {  	v22 =	vmul.f32 v22, v17;
	v17 =	vmov v45;
	v36 =	vmul.f32 v1, v51;
	v11, _, _ =	vpop (xrf2)  }
0x22c: {  	v45 =	vperm.xlane v11, v8;
	v53 =	vunpack.i.l.bf16.f32 v37;
	v11 =	vpop (erf);
	v51 =	vadd.f32 v52, v13  }
0x22d: {  	v18 =	vmul.f32 v50, v18;
	v52 =	vunpack.i.u.bf16.f32 v37;
	v37 =	vmul.f32 v11, v53;
	(xrf2) =	vadd.scan.msk.f32 $0xffff, v41;
	v10 =	vpop (erf)  }
0x22e: {  	s25 =	sadd.s32 $0x240, s25;
	v13 =	vmov v46;
	v41 =	vmul.f32 v1, v45;
	v50 =	vmul.f32 v10, v52;
	v49, _, _ =	vpop (xrf2);
	[tilespmem:s23+$0xFFFFFFD0] =	vst v22  }
0x22f: {  	v22 =	vmax.f32 v49, $-5.000000000e+00;
	[tilespmem:s25+$0x90] =	vst v37;
	v37 =	vmul.f32 v38, v43;
	v38 =	vmul.f32 v39, v40;
	v39 =	vpop (erf)  }
0x230: {  	v22 =	vmin.f32 v22, $5.000000000e+00;
	[tilespmem:s25+$0xA0] =	vst v50;
	(xrf2) =	vadd.scan.msk.f32 $0xffff, v36;
	v49 =	vmul.f32 v9, v39;
	v40 =	vpop (erf)  }
0x231: {  	v22 =	vmul.f32 $1.442695020e+00, v22;
	v43 =	vld [tilespmem:s29+$0x90];
	v45, _, _ =	vpop (xrf2);
	v46 =	vmul.f32 v9, v40;
	[tilespmem:s23+$0x60] =	vst v18;
	v18 =	vmov v47  }
0x232: {  	v45 =	vmax.f32 v45, $-5.000000000e+00;
	v47 =	vld [tilespmem:s26+$0x50];
	[tilespmem:s28+$0xF0] =	vst v37;
	v37 =	vmul.f32 v39, v14;
	v23 =	vadd.f32 v49, v23;
	v36 =	vpop (erf)  }
0x233: {  	v14 =	vmovc v44;
	v39 =	vmin.f32 v45, $5.000000000e+00;
	(erf) = vpow2.f32 v22;
	(xrf2) =	vadd.scan.msk.f32 $0xffff, v41;
	v22 =	vmul.f32 v9, v36  }
0x234: {  	v44 =	vmul.f32 $1.442695020e+00, v39;
	v41, _, _ =	vpop (xrf2);
	[tilespmem:s23+$0xFFFFFF60] =	vst v23;
	v23 =	vmul.f32 v40, v15;
	v40 =	vadd.f32 v46, v48  }
0x235: {  	v36 =	vmul.f32 v36, v16;
	v15 =	vmovc v35;
	v41 =	vmax.f32 v41, $-5.000000000e+00;
	[tilespmem:s23+$0xFFFFFF50] =	vst v37;
	v22 =	vadd.f32 v22, v51  }
0x236: {  	v16 =	vmovc v42;
	v35 =	vmin.f32 v41, $5.000000000e+00;
	(erf) = vpow2.f32 v44;
	(xrf2) =	vadd.scan.msk.f32 $0xffff, v34;
	[tilespmem:s23+$0xFFFFFFF0] =	vst v40  }
0x237: {  	v34 =	vmul.f32 $1.442695020e+00, v35;
	v35 =	vunpack.i.l.bf16.f32 v43;
	v37 =	vunpack.i.l.bf16.f32 v47;
	v39, _, _ =	vpop (xrf2);
	[tilespmem:s23+$0x80] =	vst v22  }
0x238: {  	v22 =	vmax.f32 v39, $-5.000000000e+00;
	v35 =	vmul.f32 v37, v35;
	[tilespmem:s23+$0xFFFFFFE0] =	vst v23  }
0x239: {  	v22 =	vmin.f32 v22, $5.000000000e+00;
	(erf) = vpow2.f32 v34;
	[tilespmem:s23+$0x70] =	vst v36;
	s23 =	smov.u32 s28;
	s28 =	smov.u32 s25  }
0x23a: {  	v23 =	vunpack.i.u.bf16.f32 v43;
	v34 =	vunpack.i.u.bf16.f32 v47;
	v22 =	vmul.f32 $1.442695020e+00, v22;
	v36, _, _ =	vpop (xrf2);
	(xrf2) =	vadd.scan.msk.f32 $0xffff, v35  }
0x23b: {  	v23 =	vmul.f32 v34, v23;
	v36 =	vmax.f32 v36, $-5.000000000e+00;
	[tilespmem:s23+$0x100] =	vst v38  }
0x23c: {  	v36 =	vmin.f32 v36, $5.000000000e+00;
	v35 =	vpop (erf);
	(erf) = vpow2.f32 v22  }
0x23d: {  	v22 =	vmul.f32 v35, v32;
	v36 =	vmul.f32 $1.442695020e+00, v36;
	v34, _, _ =	vpop (xrf2);
	(xrf2) =	vadd.scan.msk.f32 $0xffff, v23  }
0x23e: {  	v23 =	vmul.f32 v1, v35;
	v35 =	vmax.f32 v34, $-5.000000000e+00  }
0x23f: {  	[tilespmem:s25+$0xFFFFFEE0] =	vst v22;
	v22 =	vmin.f32 v35, $5.000000000e+00;
	v34 =	vpop (erf);
	(erf) = vpow2.f32 v36  }
0x240: {  	v23 =	vadd.f32 $0.0e+00, v23;
	v35 =	vmul.f32 v34, v26;
	v22 =	vmul.f32 $1.442695020e+00, v22;
	v32, _, _ =	vpop (xrf2);
	(xrf2) =	vadd.scan.msk.f32 $0xffff, v33  }
0x241: {  	v33 =	vmul.f32 v2, v34;
	v34 =	vperm.xlane v32, v8  }
0x242: {  	[tilespmem:s25+$0xFFFFFEF0] =	vst v35;
	v26 =	vpop (erf);
	(erf) = vpow2.f32 v22  }
0x243: {  	v23 =	vadd.f32 v33, v23;
	v33 =	vld [tilespmem:s29+$0xFFFFFF10];
	v29 =	vmul.f32 v26, v29;
	v22 =	vmul.f32 v1, v34;
	(xrf2) =	vadd.scan.msk.f32 $0xffff, v31  }
0x244: {  	v26 =	vmul.f32 v1, v26;
	v31 =	vld [tilespmem:s26+$0xFFFFFF90];
	v32, _, _ =	vpop (xrf2)  }
0x245: {  	v34 =	vld [tilespmem:s29+$0xFFFFFF50];
	[tilespmem:s25+$0xFFFFFF70] =	vst v29;
	v29 =	vperm.xlane v32, v8;
	v32 =	vpop (erf)  }
0x246: {  	v26 =	vadd.f32 $0.0e+00, v26;
	v25 =	vmul.f32 v32, v25;
	v36 =	vmul.f32 v2, v32;
	(xrf2) =	vadd.scan.msk.f32 $0xffff, v30  }
0x247: {  	v35 =	vmul.f32 v1, v29;
	v30, _, _ =	vpop (xrf2)  }
0x248: {  	v37 =	vunpack.i.u.bf16.f32 v33;
	v33 =	vunpack.i.l.bf16.f32 v33;
	[tilespmem:s25+$0xFFFFFF80] =	vst v25;
	v25 =	vperm.xlane v30, v8;
	v38 =	vpop (erf)  }
0x249: {  	v30 =	vunpack.i.u.bf16.f32 v31;
	v31 =	vunpack.i.l.bf16.f32 v31;
	v39 =	vld [tilespmem:s29+$0xFFFFFF90];
	v41 =	vmul.f32 v38, v21;
	(xrf2) =	vadd.scan.msk.f32 $0xffff, v35  }
0x24a: {  	v32 =	vunpack.i.u.bf16.f32 v34;
	v31 =	vmul.f32 v31, v33;
	v33 =	vld [tilespmem:s26+$0xFFFFFFD0];
	v42 =	vmul.f32 v1, v25;
	v29, _, _ =	vpop (xrf2)  }
0x24b: {  	v35 =	vunpack.i.l.bf16.f32 v34;
	v37 =	vmul.f32 v30, v37;
	v40 =	vld [tilespmem:s29+$0xFFFFFFD0];
	[tilespmem:s25+$0x0] =	vst v41;
	v21 =	vpop (erf);
	v29 =	vperm.xlane v29, v8  }
0x24c: {  	v30 =	vadd.f32 v36, v26;
	v26 =	vmul.f32 v1, v38;
	v20 =	vmul.f32 v21, v20;
	(xrf2) =	vadd.scan.msk.f32 $0xffff, v42  }
0x24d: {  	v21 =	vmul.f32 v2, v21;
	v29 =	vmul.f32 v1, v29;
	v25, _, _ =	vpop (xrf2)  }
0x24e: {  	v36 =	vunpack.i.u.bf16.f32 v39;
	v38 =	vunpack.i.l.bf16.f32 v39;
	[tilespmem:s25+$0x10] =	vst v20;
	v20 =	vperm.xlane v25, v8  }
0x24f: {  	v26 =	vadd.f32 $0.0e+00, v26;
	v42 =	vunpack.i.u.bf16.f32 v33;
	v33 =	vunpack.i.l.bf16.f32 v33;
	v39 =	vld [tilespmem:s29+$0x10];
	(xrf2) =	vadd.scan.msk.f32 $0xffff, v31  }
0x250: {  	v34 =	vunpack.i.u.bf16.f32 v40;
	v33 =	vmul.f32 v33, v38;
	v36 =	vmul.f32 v42, v36;
	v41 =	vld [tilespmem:s26+$0x10];
	v25, _, _ =	vpop (xrf2)  }
0x251: {  	v38 =	vunpack.i.l.bf16.f32 v40;
	v40 =	vld [tilespmem:s29+$0x50];
	v42 =	vperm.xlane v25, v8;
	v25 =	vmul.f32 v1, v20  }
0x252: {  	v31 =	vadd.f32 v21, v26;
	(xrf2) =	vadd.scan.msk.f32 $0xffff, v37  }
0x253: {  	v20, _, _ =	vpop (xrf2);
	v26 =	vmul.f32 v1, v42  }
0x254: {  	v21 =	vunpack.i.u.bf16.f32 v39;
	v42 =	vunpack.i.l.bf16.f32 v39  }
0x255: {  	v39 =	vunpack.i.u.bf16.f32 v41;
	v41 =	vunpack.i.l.bf16.f32 v41;
	(xrf2) =	vadd.scan.msk.f32 $0xffff, v33  }
0x256: {  	v20 =	vmax.f32 v20, $-5.000000000e+00;
	v41 =	vmul.f32 v41, v42;
	v21 =	vmul.f32 v39, v21;
	v37, _, _ =	vpop (xrf2)  }
0x257: {  	v20 =	vmin.f32 v20, $5.000000000e+00;
	v33 =	vunpack.i.u.bf16.f32 v40;
	v42 =	vmax.f32 v37, $-5.000000000e+00  }
0x258: {  	v20 =	vmul.f32 $1.442695020e+00, v20;
	v37 =	vunpack.i.l.bf16.f32 v40;
	v40 =	vmin.f32 v42, $5.000000000e+00;
	(xrf2) =	vadd.scan.msk.f32 $0xffff, v36  }
0x259: {  	v40 =	vmul.f32 $1.442695020e+00, v40;
	v39, _, _ =	vpop (xrf2)  }
0x25a: {  	v39 =	vperm.xlane v39, v8;
	(erf) = vpow2.f32 v20  }
0x25b: {  	(xrf2) =	vadd.scan.msk.f32 $0xffff, v41;
	(erf) = vpow2.f32 v40  }
0x25c: {  	v20 =	vmul.f32 v1, v39;
	v36, _, _ =	vpop (xrf2)  }
0x25d: {  	v36 =	vperm.xlane v36, v8  }
0x25e: {  	v39 =	vld [tilespmem:s29+$0xD0];
	(xrf2) =	vadd.scan.msk.f32 $0xffff, v21  }
0x25f: {  	v36 =	vmul.f32 v1, v36;
	v21, _, _ =	vpop (xrf2)  }
0x260: {  	v42 =	vperm.xlane v21, v8  }
0x261: {  	(xrf2) =	vadd.scan.msk.f32 $0xffff, v20  }
0x262: {  	v40 =	vmul.f32 v1, v42;
	v20, _, _ =	vpop (xrf2)  }
0x263: {  	v44 =	vperm.xlane v20, v8;
	v43 =	vunpack.i.l.bf16.f32 v39;
	v21 =	vpop (erf)  }
0x264: {  	v39 =	vunpack.i.u.bf16.f32 v39;
	v42 =	vmul.f32 v21, v43;
	(xrf2) =	vadd.scan.msk.f32 $0xffff, v36;
	v20 =	vpop (erf)  }
0x265: {  	v36 =	vmul.f32 v1, v44;
	v39 =	vmul.f32 v20, v39;
	v41, _, _ =	vpop (xrf2)  }
0x266: {  	v43 =	vperm.xlane v41, v8;
	[tilespmem:s25+$0xB0] =	vst v42  }
0x267: {  	[tilespmem:s25+$0xC0] =	vst v39;
	(xrf2) =	vadd.scan.msk.f32 $0xffff, v40  }
0x268: {  	v39 =	vmul.f32 v1, v43;
	v40 =	vld [tilespmem:s29+$0xA0];
	v41, _, _ =	vpop (xrf2)  }
0x269: {  	v43 =	vperm.xlane v41, v8;
	v42 =	vld [tilespmem:s26+$0x60]  }
0x26a: {  	(xrf2) =	vadd.scan.msk.f32 $0xffff, v36  }
0x26b: {  	v36 =	vmul.f32 v1, v43;
	v41, _, _ =	vpop (xrf2)  }
0x26c: {  	v41 =	vmax.f32 v41, $-5.000000000e+00  }
0x26d: {  	v41 =	vmin.f32 v41, $5.000000000e+00;
	(xrf2) =	vadd.scan.msk.f32 $0xffff, v39  }
0x26e: {  	v39 =	vmul.f32 $1.442695020e+00, v41;
	v41 =	vunpack.i.l.bf16.f32 v40;
	v43 =	vunpack.i.l.bf16.f32 v42;
	v44, _, _ =	vpop (xrf2)  }
0x26f: {  	v44 =	vmax.f32 v44, $-5.000000000e+00;
	v41 =	vmul.f32 v43, v41  }
0x270: {  	v44 =	vmin.f32 v44, $5.000000000e+00;
	(erf) = vpow2.f32 v39  }
0x271: {  	v40 =	vunpack.i.u.bf16.f32 v40;
	v42 =	vunpack.i.u.bf16.f32 v42;
	v39 =	vmul.f32 $1.442695020e+00, v44;
	v43, _, _ =	vpop (xrf2);
	(xrf2) =	vadd.scan.msk.f32 $0xffff, v41  }
0x272: {  	v40 =	vmul.f32 v42, v40;
	v43 =	vmax.f32 v43, $-5.000000000e+00  }
0x273: {  	v42 =	vmin.f32 v43, $5.000000000e+00;
	(erf) = vpow2.f32 v39  }
0x274: {  	v39 =	vmul.f32 $1.442695020e+00, v42;
	v41, _, _ =	vpop (xrf2);
	(xrf2) =	vadd.scan.msk.f32 $0xffff, v40  }
0x275: {  	v42 =	vmax.f32 v41, $-5.000000000e+00  }
0x276: {  	v41 =	vmin.f32 v42, $5.000000000e+00;
	(erf) = vpow2.f32 v39  }
0x277: {  	v39 =	vmul.f32 $1.442695020e+00, v41;
	v40, _, _ =	vpop (xrf2);
	(xrf2) =	vadd.scan.msk.f32 $0xffff, v36  }
0x278: {  	v36 =	vmax.f32 v40, $-5.000000000e+00  }
0x279: {  	v36 =	vmin.f32 v36, $5.000000000e+00;
	v40 =	vpop (erf);
	(erf) = vpow2.f32 v39  }
0x27a: {  	v35 =	vmul.f32 v40, v35;
	v36 =	vmul.f32 $1.442695020e+00, v36;
	(xrf2) =	vadd.scan.msk.f32 $0xffff, v28  }
0x27b: {  	v28 =	vmul.f32 v3, v40;
	v39, _, _ =	vpop (xrf2)  }
0x27c: {  	[tilespmem:s25+$0xFFFFFF00] =	vst v35;
	v40 =	vperm.xlane v39, v8;
	v39 =	vpop (erf);
	(erf) = vpow2.f32 v36  }
0x27d: {  	v23 =	vadd.f32 v28, v23;
	v41 =	vmul.f32 v39, v32;
	v32 =	vmul.f32 v4, v39;
	(xrf2) =	vadd.scan.msk.f32 $0xffff, v27  }
0x27e: {  	v27 =	vmul.f32 v1, v40;
	v35, _, _ =	vpop (xrf2)  }
0x27f: {  	[tilespmem:s25+$0xFFFFFF10] =	vst v41;
	v36 =	vadd.f32 v32, v23;
	v23 =	vperm.xlane v35, v8;
	v28 =	vpop (erf)  }
0x280: {  	v32 =	vld [tilespmem:s29+$0xFFFFFF20];
	v40 =	vmul.f32 v28, v38;
	v28 =	vmul.f32 v3, v28;
	(xrf2) =	vadd.scan.msk.f32 $0xffff, v27  }
0x281: {  	v27 =	vld [tilespmem:s26+$0xFFFFFFA0];
	v23 =	vmul.f32 v1, v23;
	v38, _, _ =	vpop (xrf2)  }
0x282: {  	v39 =	vld [tilespmem:s29+$0xFFFFFF60];
	[tilespmem:s25+$0xFFFFFF90] =	vst v40;
	v28 =	vadd.f32 v28, v30;
	v41 =	vmax.f32 v38, $-5.000000000e+00;
	v35 =	vpop (erf)  }
0x283: {  	v40 =	vmul.f32 v35, v34;
	v35 =	vmul.f32 v4, v35;
	v38 =	vmin.f32 v41, $5.000000000e+00;
	(xrf2) =	vadd.scan.msk.f32 $0xffff, v23  }
0x284: {  	v23 =	vmul.f32 $1.442695020e+00, v38;
	v30, _, _ =	vpop (xrf2)  }
0x285: {  	v38 =	vunpack.i.u.bf16.f32 v32;
	v32 =	vunpack.i.l.bf16.f32 v32;
	[tilespmem:s25+$0xFFFFFFA0] =	vst v40;
	v34 =	vpop (erf);
	v40 =	vperm.xlane v30, v8  }
0x286: {  	v43 =	vunpack.i.u.bf16.f32 v27;
	v41 =	vld [tilespmem:s29+$0xFFFFFFA0];
	v42 =	vmul.f32 v34, v37;
	(erf) = vpow2.f32 v23;
	(xrf2) =	vadd.scan.msk.f32 $0xffff, v22  }
0x287: {  	v22 =	vunpack.i.l.bf16.f32 v27;
	v37 =	vunpack.i.u.bf16.f32 v39;
	v23 =	vmul.f32 v43, v38;
	v27 =	vld [tilespmem:s26+$0xFFFFFFE0];
	v30, _, _ =	vpop (xrf2)  }
0x288: {  	v39 =	vunpack.i.l.bf16.f32 v39;
	v43 =	vmul.f32 v22, v32;
	v38 =	vld [tilespmem:s29+$0xFFFFFFE0];
	[tilespmem:s25+$0x20] =	vst v42;
	v32 =	vperm.xlane v30, v8  }
0x289: {  	v30 =	vadd.f32 v35, v28;
	v28 =	vmul.f32 v3, v34;
	v34 =	vmul.f32 v1, v40  }
0x28a: {  	(xrf2) =	vadd.scan.msk.f32 $0xffff, v43;
	v22, _, _ =	vpop (xrf2);
	v32 =	vmul.f32 v1, v32  }
0x28b: {  	v28 =	vadd.f32 v28, v31;
	v35 =	vunpack.i.u.bf16.f32 v41;
	v40 =	vunpack.i.l.bf16.f32 v41  }
0x28c: {  	v31 =	vunpack.i.u.bf16.f32 v27;
	v27 =	vunpack.i.l.bf16.f32 v27  }
0x28d: {  	v22 =	vmax.f32 v22, $-5.000000000e+00;
	v27 =	vmul.f32 v27, v40;
	v35 =	vmul.f32 v31, v35;
	(xrf2) =	vadd.scan.msk.f32 $0xffff, v23;
	v23, _, _ =	vpop (xrf2)  }
0x28e: {  	v22 =	vmin.f32 v22, $5.000000000e+00;
	v31 =	vunpack.i.u.bf16.f32 v38;
	v23 =	vmax.f32 v23, $-5.000000000e+00  }
0x28f: {  	v38 =	vunpack.i.l.bf16.f32 v38;
	v22 =	vmul.f32 $1.442695020e+00, v22;
	v23 =	vmin.f32 v23, $5.000000000e+00;
	v40 =	vpop (erf)  }
0x290: {  	v33 =	vmul.f32 v40, v33;
	v23 =	vmul.f32 $1.442695020e+00, v23;
	v41, _, _ =	vpop (xrf2)  }
0x291: {  	v40 =	vmul.f32 v4, v40;
	(erf) = vpow2.f32 v22;
	v22 =	vmax.f32 v41, $-5.000000000e+00  }
0x292: {  	[tilespmem:s25+$0x30] =	vst v33;
	(xrf2) =	vadd.scan.msk.f32 $0xffff, v27;
	(erf) = vpow2.f32 v23;
	v23 =	vmin.f32 v22, $5.000000000e+00  }
0x293: {  	v22 =	vadd.f32 v40, v28;
	v27 =	vld [tilespmem:s29+$0x20];
	v23 =	vmul.f32 $1.442695020e+00, v23  }
0x294: {  	v28 =	vld [tilespmem:s26+$0x20];
	v33, _, _ =	vpop (xrf2)  }
0x295: {  	v33 =	vperm.xlane v33, v8;
	v40 =	vld [tilespmem:s29+$0xE0];
	(xrf2) =	vadd.scan.msk.f32 $0xffff, v35;
	(erf) = vpow2.f32 v23  }
0x296: {  	v23 =	vld [tilespmem:s29+$0x60]  }
0x297: {  	v33 =	vmul.f32 v1, v33;
	v35, _, _ =	vpop (xrf2)  }
0x298: {  	v35 =	vperm.xlane v35, v8;
	v41 =	vunpack.i.u.bf16.f32 v27;
	v27 =	vunpack.i.l.bf16.f32 v27  }
0x299: {  	v42 =	vunpack.i.u.bf16.f32 v28;
	v44 =	vunpack.i.l.bf16.f32 v28;
	(xrf2) =	vadd.scan.msk.f32 $0xffff, v33  }
0x29a: {  	v43 =	vmul.f32 v44, v27;
	v41 =	vmul.f32 v42, v41;
	v33 =	vunpack.i.l.bf16.f32 v40;
	v28 =	vpop (erf)  }
0x29b: {  	v42 =	vmul.f32 v1, v35;
	v45 =	vunpack.i.u.bf16.f32 v40;
	v44 =	vmul.f32 v28, v33;
	v27 =	vpop (erf)  }
0x29c: {  	v33 =	vunpack.i.u.bf16.f32 v23;
	v35 =	vunpack.i.l.bf16.f32 v23;
	v45 =	vmul.f32 v27, v45;
	v40, _, _ =	vpop (xrf2);
	(xrf2) =	vadd.scan.msk.f32 $0xffff, v43  }
0x29d: {  	v40 =	vperm.xlane v40, v8;
	[tilespmem:s25+$0xD0] =	vst v44  }
0x29e: {  	[tilespmem:s25+$0xE0] =	vst v45;
	v23 =	vpop (erf)  }
0x29f: {  	v40 =	vmul.f32 v1, v40;
	v43 =	vld [tilespmem:s29+$0xB0];
	v44, _, _ =	vpop (xrf2);
	(xrf2) =	vadd.scan.msk.f32 $0xffff, v41;
	v41 =	vmul.f32 v7, v23  }
0x2a0: {  	v46 =	vmul.f32 v23, v24;
	v44 =	vperm.xlane v44, v8;
	v45 =	vld [tilespmem:s26+$0x70]  }
0x2a1: {  	v23 =	vadd.f32 v41, v19  }
0x2a2: {  	v19 =	vmul.f32 v1, v44;
	(xrf2) =	vadd.scan.msk.f32 $0xffff, v42;
	[tilespmem:s23+$0xFFFFFF40] =	vst v46  }
0x2a3: {  	v24, _, _ =	vpop (xrf2)  }
0x2a4: {  	v24 =	vmax.f32 v24, $-5.000000000e+00  }
0x2a5: {  	v44 =	vunpack.i.u.bf16.f32 v43;
	v24 =	vmin.f32 v24, $5.000000000e+00;
	v42 =	vunpack.i.u.bf16.f32 v45;
	(xrf2) =	vadd.scan.msk.f32 $0xffff, v40  }
0x2a6: {  	v24 =	vmul.f32 $1.442695020e+00, v24;
	v40 =	vmul.f32 v42, v44;
	v41, _, _ =	vpop (xrf2)  }
0x2a7: {  	v44 =	vperm.xlane v41, v8  }
0x2a8: {  	v42 =	vunpack.i.l.bf16.f32 v43;
	v43 =	vunpack.i.l.bf16.f32 v45;
	(erf) = vpow2.f32 v24;
	(xrf2) =	vadd.scan.msk.f32 $0xffff, v40  }
0x2a9: {  	v40 =	vmul.f32 v43, v42;
	v24 =	vmul.f32 v1, v44;
	v41, _, _ =	vpop (xrf2)  }
0x2aa: {  	v42 =	vperm.xlane v41, v8  }
0x2ab: {  	(xrf2) =	vadd.scan.msk.f32 $0xffff, v40  }
0x2ac: {  	v40 =	vmul.f32 v1, v42;
	v41, _, _ =	vpop (xrf2)  }
0x2ad: {  	v43 =	vmax.f32 v41, $-5.000000000e+00  }
0x2ae: {  	v42 =	vmin.f32 v43, $5.000000000e+00;
	(xrf2) =	vadd.scan.msk.f32 $0xffff, v19  }
0x2af: {  	v19 =	vmul.f32 $1.442695020e+00, v42;
	v41, _, _ =	vpop (xrf2)  }
0x2b0: {  	v41 =	vmax.f32 v41, $-5.000000000e+00  }
0x2b1: {  	v41 =	vmin.f32 v41, $5.000000000e+00;
	v42 =	vpop (erf);
	(erf) = vpow2.f32 v19;
	(xrf2) =	vadd.scan.msk.f32 $0xffff, v24  }
0x2b2: {  	v19 =	vmul.f32 v42, v39;
	v24 =	vmul.f32 $1.442695020e+00, v41;
	v39, _, _ =	vpop (xrf2)  }
0x2b3: {  	v41 =	vmul.f32 v5, v42;
	v39 =	vperm.xlane v39, v8  }
0x2b4: {  	[tilespmem:s25+$0xFFFFFF20] =	vst v19;
	(erf) = vpow2.f32 v24;
	(xrf2) =	vadd.scan.msk.f32 $0xffff, v40  }
0x2b5: {  	v19 =	vadd.f32 v41, v36;
	v24 =	vmul.f32 v1, v39;
	v36, _, _ =	vpop (xrf2)  }
0x2b6: {  	v39 =	vperm.xlane v36, v8  }
0x2b7: {  	(xrf2) =	vadd.scan.msk.f32 $0xffff, v24  }
0x2b8: {  	v24 =	vmul.f32 v1, v39;
	v36, _, _ =	vpop (xrf2)  }
0x2b9: {  	v36 =	vmax.f32 v36, $-5.000000000e+00  }
.Ltmp1:
0x2ba: {  	v36 =	vmin.f32 v36, $5.000000000e+00;
	v39 =	vpop (erf);
	(xrf2) =	vadd.scan.msk.f32 $0xffff, v24;
	(pc) =	sbr.rel @p0 .LBB2_6-.Ltmp1, $4  }
0x2bb: {  	v24 =	vmul.f32 v39, v37;
	v42 =	vmul.f32 $1.442695020e+00, v36;
	v37, _, _ =	vpop (xrf2)  }
0x2bc: {  	v39 =	vmul.f32 v6, v39;
	v41 =	vmax.f32 v37, $-5.000000000e+00  }
0x2bd: {  	[tilespmem:s25+$0xFFFFFF30] =	vst v24;
	v40 =	vmin.f32 v41, $5.000000000e+00;
	v37 =	vpop (erf);
	(erf) = vpow2.f32 v42;
	(xrf2) =	vadd.scan.msk.f32 $0xffff, v29  }
0x2be: {  	s29 =	sadd.s32 $0x200, s29;
	v19 =	vadd.f32 v39, v19;
	v39 =	vld [tilespmem:s24+$0xFFFFFF30];
	v24 =	vmul.f32 v37, v38;
	v29 =	vmul.f32 $1.442695020e+00, v40;
	v36, _, _ =	vpop (xrf2)  }
0x2bf: {  	v36 =	vmax.f32 v36, $-5.000000000e+00  }
0x2c0: {  	v36 =	vmin.f32 v36, $5.000000000e+00  }
0x2c1: {  	v36 =	vmul.f32 $1.442695020e+00, v36  }
0x2c2: {  	(erf) = vpow2.f32 v29  }
0x2c3: {  	(erf) = vpow2.f32 v36;
	_ =	sdelay $0x6  }
0x2c4: {  	v29 =	vpop (erf)  }
0x2c5: {  	v31 =	vmul.f32 v29, v31;
	v36 =	vpop (erf)  }
0x2c6: {  	v38 =	vld [tilespmem:s8+$0xFFFFFFB0];
	[tilespmem:s25+$0xFFFFFFB0] =	vst v24;
	v35 =	vmul.f32 v36, v35;
	v24 =	vpop (erf)  }
0x2c7: {  	[tilespmem:s25+$0xFFFFFFC0] =	vst v31;
	v33 =	vmul.f32 v24, v33  }
0x2c8: {  	v31 =	vld [tilespmem:s24+$0xFFFFFFB0];
	[tilespmem:s25+$0x40] =	vst v35  }
0x2c9: {  	v57 =	vld [tilespmem:s8+$0xFFFFFFF0];
	[tilespmem:s25+$0x50] =	vst v33  }
0x2ca: {  	(xrf2) =	vadd.scan.msk.f32 $0xffff, v25;
	v58 =	vld [tilespmem:s24+$0x30]  }
0x2cb: {  	(xrf2) =	vadd.scan.msk.f32 $0xffff, v26;
	v59 =	vunpack.i.l.bf16.f32 v39;
	v60 =	vunpack.i.l.bf16.f32 v38;
	v40 =	vld [tilespmem:s8+$0x30]  }
0x2cc: {  	(xrf2) =	vadd.scan.msk.f32 $0xffff, v34;
	v26 =	vmul.f32 v60, v59  }
0x2cd: {  	v11 =	vmul.f32 v1, v11;
	(xrf2) =	vadd.scan.msk.f32 $0xffff, v32  }
0x2ce: {  	v10 =	vmul.f32 v2, v10;
	v21 =	vmul.f32 v3, v21;
	(xrf2) =	vadd.scan.msk.f32 $0xffff, v26  }
0x2cf: {  	v55 =	vmul.f32 v5, v28;
	v61 =	vunpack.i.l.bf16.f32 v31;
	v62 =	vunpack.i.l.bf16.f32 v57  }
0x2d0: {  	v32 =	vmul.f32 v62, v61;
	v46 =	vunpack.i.l.bf16.f32 v58;
	v41 =	vunpack.i.l.bf16.f32 v40  }
0x2d1: {  	v63, _, _ =	vpop (xrf2);
	v44 =	vunpack.i.u.bf16.f32 v39;
	v38 =	vunpack.i.u.bf16.f32 v38;
	v39 =	vmul.f32 v41, v46  }
0x2d2: {  	v27 =	vmul.f32 v6, v27;
	v45, _, _ =	vpop (xrf2);
	v33 =	vmul.f32 v38, v44;
	(xrf2) =	vadd.scan.msk.f32 $0xffff, v32  }
0x2d3: {  	v11 =	vadd.f32 $0.0e+00, v11;
	v48, _, _ =	vpop (xrf2);
	v31 =	vunpack.i.u.bf16.f32 v31;
	v35 =	vunpack.i.u.bf16.f32 v57;
	(xrf2) =	vadd.scan.msk.f32 $0xffff, v39  }
0x2d4: {  	v49, _, _ =	vpop (xrf2);
	v31 =	vmul.f32 v35, v31;
	v25 =	vunpack.i.u.bf16.f32 v58;
	v50 =	vunpack.i.u.bf16.f32 v40;
	(xrf2) =	vadd.scan.msk.f32 $0xffff, v33  }
0x2d5: {  	v10 =	vadd.f32 v10, v11;
	v34 =	vmax.f32 v45, $-5.000000000e+00;
	v51, _, _ =	vpop (xrf2);
	v25 =	vmul.f32 v50, v25  }
0x2d6: {  	v11 =	vmul.f32 v4, v20;
	v47 =	vmin.f32 v34, $5.000000000e+00;
	v26 =	vmax.f32 v63, $-5.000000000e+00;
	v52, _, _ =	vpop (xrf2);
	(xrf2) =	vadd.scan.msk.f32 $0xffff, v31  }
0x2d7: {  	v10 =	vadd.f32 v21, v10;
	v26 =	vmin.f32 v26, $5.000000000e+00;
	v53, _, _ =	vpop (xrf2);
	v32 =	vmul.f32 $1.442695020e+00, v47;
	(xrf2) =	vadd.scan.msk.f32 $0xffff, v25  }
0x2d8: {  	v56 =	vmax.f32 v48, $-5.000000000e+00;
	v26 =	vmul.f32 $1.442695020e+00, v26;
	v57 =	vmax.f32 v49, $-5.000000000e+00;
	v54, _, _ =	vpop (xrf2)  }
0x2d9: {  	v28 =	vmin.f32 v57, $5.000000000e+00;
	v20 =	vperm.xlane v54, v8;
	(erf) = vpow2.f32 v32  }
0x2da: {  	(erf) = vpow2.f32 v26;
	v26 =	vmin.f32 v56, $5.000000000e+00;
	v58 =	vmax.f32 v51, $-5.000000000e+00  }
0x2db: {  	v28 =	vmul.f32 $1.442695020e+00, v28;
	v26 =	vmul.f32 $1.442695020e+00, v26;
	v32 =	vmin.f32 v58, $5.000000000e+00  }
0x2dc: {  	v10 =	vadd.f32 v11, v10;
	v20 =	vmul.f32 v1, v20;
	v32 =	vmul.f32 $1.442695020e+00, v32;
	v59, _, _ =	vpop (xrf2)  }
0x2dd: {  	(erf) = vpow2.f32 v26;
	v33 =	vperm.xlane v59, v8;
	v60, _, _ =	vpop (xrf2)  }
0x2de: {  	v10 =	vadd.f32 v55, v10;
	(erf) = vpow2.f32 v28;
	v62 =	vperm.xlane v60, v8;
	v63, _, _ =	vpop (xrf2)  }
0x2df: {  	v61 =	vmul.f32 v1, v33;
	v34 =	vperm.xlane v63, v8  }
0x2e0: {  	v10 =	vadd.f32 v27, v10;
	v27 =	vld [tilespmem:s24+$0xF0];
	(erf) = vpow2.f32 v32;
	(xrf2) =	vadd.scan.msk.f32 $0xffff, v20;
	v38, _, _ =	vpop (xrf2);
	v11 =	vmul.f32 v1, v62  }
0x2e1: {  	(xrf2) =	vadd.scan.msk.f32 $0xffff, v61;
	v21 =	vperm.xlane v38, v8;
	v40, _, _ =	vpop (xrf2);
	v39 =	vmul.f32 v1, v34  }
0x2e2: {  	v41 =	vperm.xlane v40, v8;
	(xrf2) =	vadd.scan.msk.f32 $0xffff, v11  }
0x2e3: {  	v11 =	vmul.f32 v1, v21;
	(xrf2) =	vadd.scan.msk.f32 $0xffff, v39  }
0x2e4: {  	v43 =	vmax.f32 v52, $-5.000000000e+00;
	v45 =	vmax.f32 v53, $-5.000000000e+00;
	v42 =	vpop (erf);
	v25 =	vmul.f32 v1, v41  }
0x2e5: {  	v52 =	vunpack.i.l.bf16.f32 v27;
	v28 =	vmin.f32 v45, $5.000000000e+00;
	v44 =	vmul.f32 v7, v42;
	v31 =	vpop (erf);
	(xrf2) =	vadd.scan.msk.f32 $0xffff, v11  }
0x2e6: {  	v28 =	vmul.f32 $1.442695020e+00, v28;
	v20 =	vmul.f32 v42, v52;
	v48 =	vpop (erf);
	(xrf2) =	vadd.scan.msk.f32 $0xffff, v25  }
0x2e7: {  	v47 =	vmul.f32 v9, v31;
	v10 =	vadd.f32 v44, v10;
	v49 =	vmul.f32 v7, v48  }
0x2e8: {  	v50 =	vpop (erf);
	v17 =	vmul.f32 v48, v17;
	v48 =	vmul.f32 v6, v24;
	v21 =	vmin.f32 v43, $5.000000000e+00  }
0x2e9: {  	v53 =	vmul.f32 v7, v50;
	v54 =	vpop (erf);
	v21 =	vmul.f32 $1.442695020e+00, v21  }
0x2ea: {  	v10 =	vadd.f32 v47, v10;
	v18 =	vmul.f32 v50, v18;
	v55 =	vmul.f32 v9, v54;
	v46, _, _ =	vpop (xrf2)  }
0x2eb: {  	v14 =	vmul.f32 v54, v14;
	(erf) = vpow2.f32 v21;
	v25 =	vmax.f32 v46, $-5.000000000e+00;
	v51, _, _ =	vpop (xrf2)  }
0x2ec: {  	(erf) = vpow2.f32 v28;
	v25 =	vmin.f32 v25, $5.000000000e+00;
	v28 =	vmax.f32 v51, $-5.000000000e+00;
	v56, _, _ =	vpop (xrf2)  }
0x2ed: {  	v25 =	vmul.f32 $1.442695020e+00, v25;
	v28 =	vmin.f32 v28, $5.000000000e+00;
	v57, _, _ =	vpop (xrf2);
	v32 =	vmax.f32 v56, $-5.000000000e+00  }
0x2ee: {  	v28 =	vmul.f32 $1.442695020e+00, v28;
	v34 =	vmax.f32 v57, $-5.000000000e+00;
	v32 =	vmin.f32 v32, $5.000000000e+00  }
0x2ef: {  	(erf) = vpow2.f32 v25;
	v58, _, _ =	vpop (xrf2);
	v32 =	vmul.f32 $1.442695020e+00, v32;
	v34 =	vmin.f32 v34, $5.000000000e+00  }
0x2f0: {  	(erf) = vpow2.f32 v28;
	v59, _, _ =	vpop (xrf2);
	v25 =	vmax.f32 v58, $-5.000000000e+00;
	v34 =	vmul.f32 $1.442695020e+00, v34  }
0x2f1: {  	v60 =	vld [tilespmem:s24+$0xFFFFFF70];
	v25 =	vmin.f32 v25, $5.000000000e+00;
	v35 =	vmax.f32 v59, $-5.000000000e+00;
	(erf) = vpow2.f32 v32  }
0x2f2: {  	[tilespmem:s25+$0x110] =	vst v10;
	v61 =	vmin.f32 v35, $5.000000000e+00;
	v25 =	vmul.f32 $1.442695020e+00, v25;
	(erf) = vpow2.f32 v34  }
0x2f3: {  	v12 =	vadd.f32 v49, v12;
	[tilespmem:s23+$0xFFFFFFD0] =	vst v17;
	v43 =	vmul.f32 v6, v29;
	v32 =	vmul.f32 $1.442695020e+00, v61  }
0x2f4: {  	v49 =	vunpack.i.u.bf16.f32 v27;
	v62 =	vld [tilespmem:s24+$0xFFFFFFF0];
	[tilespmem:s23+$0x60] =	vst v18;
	v11 =	vmul.f32 v5, v37;
	v10 =	vpop (erf);
	(erf) = vpow2.f32 v25  }
0x2f5: {  	v13 =	vadd.f32 v53, v13;
	[tilespmem:s28+$0xF0] =	vst v20;
	v51 =	vmul.f32 v31, v49;
	v37 =	vpop (erf);
	(erf) = vpow2.f32 v32  }
0x2f6: {  	[tilespmem:s23+$0xFFFFFF50] =	vst v14;
	v39 =	vld [tilespmem:s24+$0x70];
	v40 =	vunpack.i.u.bf16.f32 v60;
	v63 =	vmul.f32 v9, v10;
	v10 =	vmul.f32 v10, v15  }
0x2f7: {  	v41 =	vmul.f32 v5, v36;
	v42 =	vunpack.i.l.bf16.f32 v60;
	[tilespmem:s28+$0x100] =	vst v51;
	v16 =	vmul.f32 v37, v16  }
0x2f8: {  	v11 =	vadd.f32 v11, v30;
	v38 =	vmul.f32 v9, v37;
	v35 =	vadd.f32 v55, v23;
	[tilespmem:s23+$0xFFFFFFE0] =	vst v10;
	v44 =	vpop (erf)  }
0x2f9: {  	v45 =	vadd.f32 v41, v22;
	v46 =	vunpack.i.l.bf16.f32 v62;
	v12 =	vadd.f32 v63, v12;
	[tilespmem:s23+$0x70] =	vst v16;
	v47 =	vpop (erf)  }
0x2fa: {  	v11 =	vadd.f32 v43, v11;
	v13 =	vadd.f32 v38, v13;
	[tilespmem:s23+$0xFFFFFF60] =	vst v35;
	v10 =	vmul.f32 v7, v44;
	v50 =	vpop (erf)  }
0x2fb: {  	v52 =	vunpack.i.l.bf16.f32 v39;
	[tilespmem:s23+$0xFFFFFFF0] =	vst v12;
	v14 =	vmul.f32 v44, v42;
	v53 =	vmul.f32 v7, v47;
	v54 =	vpop (erf)  }
0x2fc: {  	[tilespmem:s23+$0x80] =	vst v13;
	v10 =	vadd.f32 v10, v19;
	v12 =	vmul.f32 v47, v46;
	v55 =	vmul.f32 v9, v54  }
0x2fd: {  	v15 =	vadd.f32 v48, v45;
	[tilespmem:s28+$0xFFFFFF40] =	vst v14;
	v56 =	vmul.f32 v7, v50;
	v13 =	vmul.f32 v50, v52;
	v57 =	vpop (erf)  }
0x2fe: {  	v11 =	vadd.f32 v53, v11;
	[tilespmem:s28+$0xFFFFFFD0] =	vst v12;
	v58 =	vmul.f32 v9, v57;
	v59 =	vpop (erf);
	v10 =	vadd.f32 v55, v10  }
0x2ff: {  	v60 =	vmul.f32 v54, v40;
	v14 =	vadd.f32 v56, v15;
	[tilespmem:s28+$0x60] =	vst v13;
	v61 =	vmul.f32 v9, v59  }
0x300: {  	s4 =	smul.u32 $0xA0, s21;
	s21 =	sadd.s32 $0x1, s21;
	[tilespmem:s28+$0xFFFFFF60] =	vst v10;
	v10 =	vadd.f32 v58, v11  }
0x301: {  	p2 =	sne.s32 s21, $0x32;
	[tilespmem:s28+$0xFFFFFF50] =	vst v60;
	v11 =	vunpack.i.u.bf16.f32 v62;
	v62 =	vadd.f32 v61, v14  }
.Ltmp2:
0x302: {  	v63 =	vunpack.i.u.bf16.f32 v39;
	v11 =	vmul.f32 v57, v11;
	[tilespmem:s28+$0xFFFFFFF0] =	vst v10;
	(pc) =	sbr.rel @p2 .LBB2_5-.Ltmp2, $4  }
0x303: {  	s29 =	sadd.s32 $0x69A0, s22;
	p0 =	seq.s32 s20, $0x2;
	p1 =	seq.s32 s19, $0x1;
	v10 =	vmul.f32 v59, v63;
	[tilespmem:s28+$0x80] =	vst v62  }
0x304: {  	s20 =	sadd.s32 $0x1, s20;
	s19 =	sadd.s32 $0x1, s19;
	s4 =	sshra.s32 s4, $0x2;
	[tilespmem:s28+$0xFFFFFFE0] =	vst v11  }
0x305: {  	s20 =	simm.s32 @p0 $0x0;
	s19 =	simm.s32 @p1 $0x0;
	s4 =	sadd.s32 $0x7D0, s4;
	[tilespmem:s28+$0x70] =	vst v10  }
0x306: {  	[spmem:s3] =	stream.indirect.scatter.add.f32 [tilespmem:s29], [sflag:$0x3], $0x90, s4, s1, $0xb8;
	[tilespmem:$0x1F630] =	vst v63  }
0x307: {  	_ =	swait.ge [sflag:s14], $0x1400  }
0x308: {  	[sflag:s14] =	ssyncset.done $0x0  }
0x309: {  	[sflag:s14] =	ssyncadd.s32 $0xFFFFEC00  }
0x30a: {  	_ =	swait.ge [sflag:s15], $0xA00  }
0x30b: {  	[sflag:s15] =	ssyncset.done $0x0  }
0x30c: {  	[sflag:s15] =	ssyncadd.s32 $0xFFFFF600  }
0x30d: {  	_ =	swait.ge [sflag:s16], $0x1680  }
0x30e: {  	[sflag:s16] =	ssyncset.done $0x0  }
0x30f: {  	[sflag:s16] =	ssyncadd.s32 $0xFFFFE980  }
0x310: {  	_ =	swait.ge [sflag:s14], $0x1400  }
0x311: {  	[sflag:s14] =	ssyncset.done $0x0  }
0x312: {  	s18 =	sadd.s32 $0x1, s18;
	[sflag:s14] =	ssyncadd.s32 $0xFFFFEC00  }
0x313: {  	p0 =	sne.s32 s18, $0x5;
	_ =	swait.ge [sflag:s15], $0xA00  }
.Ltmp3:
0x314: {  	[sflag:s15] =	ssyncset.done $0x0;
	(pc) =	sbr.rel @p0 .LBB2_4-.Ltmp3, $4  }
0x315: {  	[sflag:s15] =	ssyncadd.s32 $0xFFFFF600  }
0x316: {  	_ =	swait.ge [sflag:s16], $0x1680  }
0x317: {  	[sflag:s16] =	ssyncset.done $0x0  }
0x318: {  	[sflag:s16] =	ssyncadd.s32 $0xFFFFE980  }
0x319: {  	s4 =	stileid.u32;
	[bflag:$0x0] =	sbarrier.arrive $0xFFFF  }
0x31a: {  	s4 =	sshll.u32 s4, $0x6;
	s8 =	rddreg [dreg:$0x7]  }
0x31b: {  	s17 =	rddreg [dreg:$0x15];
	s4 =	sor.u32 $0x1C04, s4  }
0x31c: {  	[hbm:s8], [sflag:s4] =	dma.local [spmem:s17], $0x2BF2  }
0x31d: {  	_ =	swait.ge [sflag:s30], $0x2BF2  }
0x31e: {  	s28 =	rddreg [dreg:$0x4]  }
0x31f: {  	s29 =	rddreg [dreg:$0x8];
	s17 =	sadd.s32 $0x1, s28  }
0x320: {  	p0 =	sne.s32 s17, s29  }
.Ltmp4:
0x321: {  	_ = 	snop;
	(pc) =	sbr.rel @p0 .LBB2_1-.Ltmp4, $3  }
0x322: {  	_ =	sdelay $0x1  }
0x323: {  	[sflag:s30] =	ssyncset.done $0x0  }
0x324: {  	[sflag:s30] =	ssyncadd.s32 $0xFFFFD40E  }
0x325: {  	_ =	sfence.sel $0x180000  }
0x326: {  	[bflag:$0x0] =	sbarrier.arrive $0xFFFF  }
0x327: {  	_ =	strace $0x90000047  }
0x328: {  	s0 =	stileid.u32;
	[bflag:$0x2] =	sbarrier.arrive $0xFFFF  }
0x329: {  	p0 =	sne.s32 s0, $0x0;
	s0 =	rddreg [dreg:$0x3]  }
0x32a: {  	s0 =	sadd.s32 @!p0 $0x100000, s0  }
0x32b: {  	[sflag:s0] =	ssyncadd.tile.s32 @!p0 $0x1;
	_ =	shalt  }
.Lfunc_end2:
_tile_overlayer_lowered:
.L_overlay_start_2:
0x32c: {  	(tag) =	ssettag $0x2  }
0x32d: {  	s0 =	rddreg [dreg:$0x0];
	s2 =	stileid.u32  }
0x32e: {  	s1 =	rddreg [dreg:$0x1];
	p0 =	sne.s32 s2, $0x0  }
0x32f: {  	s3 =	rddreg [dreg:$0x2];
	[bflag:$0x3] =	sbarrier.arrive $0xFFFF;
	s2 =	simm.s32 @!p0 $0x1C04  }
0x330: {  	[timem:s3], [sflag:s2] =	dma.local @!p0 [hbm:s0], s1  }
0x331: {  	s0 =	simm.s32 @!p0 $0x4  }
0x332: {  	_ =	swait.ge @!p0 [sflag:s0], s1  }
0x333: {  	s1 =	ssub.s32 @!p0 $0x0, s1;
	[sflag:s0] =	ssyncset.done @!p0 $0x0  }
0x334: {  	[sflag:s0] =	ssyncadd.s32 @!p0 s1  }
0x335: {  	[bflag:$0x3] =	sbarrier.arrive $0xFFFF  }
0x336: {  	_ =	shalt  }

</sc_bundles>
